<compile_context>
chip_gen: v7x
topology: tpu7x:2x2x1
jax: 0.10.2.dev20260603
libtpu: 0.0.44.dev20260713+nightly
codegen_flags: <defaults>
</compile_context>

<pallas_src>
import functools

import jax
import jax.numpy as jnp
from jax import lax
from jax.experimental import pallas as pl
from jax.experimental.pallas import tpu as pltpu
from jax.experimental.pallas import tpu_sc as plsc

NC, NS = 2, 16
NW = NC * NS
DEGW = 16


def _slab_sizes(N):
    Z0 = (N // NS) // 8 * 8
    ZL = N - Z0 * (NS - 1)
    assert Z0 % 8 == 0 and ZL % 8 == 0 and ZL >= Z0
    return Z0, ZL


def _slab_copy(s, Z0, ZL, src_at, dst_at):
    @pl.when(s < NS - 1)
    def _():
        pltpu.sync_copy(src_at(Z0, s * Z0), dst_at(Z0, s * Z0))

    @pl.when(s == NS - 1)
    def _():
        pltpu.sync_copy(src_at(ZL, (NS - 1) * Z0), dst_at(ZL, (NS - 1) * Z0))


@functools.lru_cache(maxsize=None)
def _make_segsum(N, D, E, gather=True):
    EW = E // NW
    K = 128
    CH = (EW + K - 1) // K
    assert EW * NW == E
    NP = N + 16
    Z0, ZL = _slab_sizes(NP)

    mesh = plsc.VectorSubcoreMesh(core_axis_name="c", subcore_axis_name="s")

    out_type = [jax.ShapeDtypeStruct((NC, NP, D), jnp.float32)]
    scratch = [
        pltpu.VMEM((CH, K), jnp.int32),
        pltpu.VMEM((CH, K), jnp.int32),
        pltpu.VMEM((K, D), jnp.float32),
        pltpu.VMEM_SHARED((NP, D), jnp.float32),
        pltpu.SemaphoreType.DMA,
    ]

    def body(h_hbm, srcr, dstr, z_agg, agg_out, src_v, dst_v, rows_a,
             agg_sh, sem_a):
        c = lax.axis_index("c")
        s = lax.axis_index("s")
        w = s * NC + c
        if gather:
            pltpu.sync_copy(srcr.at[w], src_v)
        else:
            pltpu.sync_copy(h_hbm, rows_a)
        pltpu.sync_copy(dstr.at[w], dst_v)
        _slab_copy(s, Z0, ZL,
                   lambda n, o: z_agg.at[pl.ds(0, n)],
                   lambda n, o: agg_sh.at[pl.ds(o, n)])
        plsc.subcore_barrier()

        def chunk(j, carry):
            if gather:
                pltpu.async_copy(h_hbm.at[src_v.at[j]], rows_a, sem_a).wait()
            pltpu.sync_copy(rows_a, agg_sh.at[dst_v.at[j]], add=True)
            return carry

        lax.fori_loop(0, CH, chunk, 0)
        plsc.subcore_barrier()
        _slab_copy(s, Z0, ZL,
                   lambda n, o: agg_sh.at[pl.ds(o, n)],
                   lambda n, o: agg_out.at[c, pl.ds(o, n)])

    return pl.kernel(body, out_type=out_type, mesh=mesh,
                     scratch_types=scratch)


@functools.lru_cache(maxsize=None)
def _make_conv(N, D, H, BLK):
    grid = N // BLK
    assert grid * BLK == N

    def body(a0, a1, d0, d1, h, vn, wlt, blv, wrt, y, stats):
        i = pl.program_id(0)
        deg = d0[:, 0:1] + d1[:, 0:1]
        ssum = a0[...] + a1[...] + deg * vn[...]
        agg = ssum / jnp.maximum(deg, 1.0)
        hv = h[...] + vn[...]
        yv = (jnp.dot(agg, wlt[...], preferred_element_type=jnp.float32)
              + blv[...]
              + jnp.dot(hv, wrt[...], preferred_element_type=jnp.float32))
        y[...] = yv

        @pl.when(i == 0)
        def _():
            stats[...] = jnp.zeros_like(stats)

        stats[0:1, :] += jnp.sum(yv, axis=0, keepdims=True)
        stats[1:2, :] += jnp.sum(yv * yv, axis=0, keepdims=True)

    row = lambda i: (i, 0)
    fix = lambda i: (0, 0)
    return pl.pallas_call(
        body,
        grid=(grid,),
        in_specs=[
            pl.BlockSpec((BLK, D), row), pl.BlockSpec((BLK, D), row),
            pl.BlockSpec((BLK, D), row), pl.BlockSpec((BLK, D), row),
            pl.BlockSpec((BLK, D), row), pl.BlockSpec((1, D), fix),
            pl.BlockSpec((D, H), fix), pl.BlockSpec((1, H), fix),
            pl.BlockSpec((D, H), fix),
        ],
        out_specs=[pl.BlockSpec((BLK, H), row), pl.BlockSpec((8, H), fix)],
        out_shape=[jax.ShapeDtypeStruct((N, H), jnp.float32),
                   jax.ShapeDtypeStruct((8, H), jnp.float32)],
    )


@functools.lru_cache(maxsize=None)
def _make_bn(N, H, BLK, relu):
    grid = N // BLK
    inv_n = 1.0 / N

    def body(y, stats, g, b, hn, pooled):
        i = pl.program_id(0)
        mu = stats[0:1, :] * inv_n
        var = stats[1:2, :] * inv_n - mu * mu
        z = (y[...] - mu) * lax.rsqrt(var + 1e-5) * g[...] + b[...]
        if relu:
            z = jnp.maximum(z, 0.0)
        hn[...] = z

        @pl.when(i == 0)
        def _():
            pooled[...] = jnp.zeros_like(pooled)

        pooled[0:1, :] += jnp.sum(z, axis=0, keepdims=True)

    row = lambda i: (i, 0)
    fix = lambda i: (0, 0)
    return pl.pallas_call(
        body,
        grid=(grid,),
        in_specs=[
            pl.BlockSpec((BLK, H), row), pl.BlockSpec((8, H), fix),
            pl.BlockSpec((1, H), fix), pl.BlockSpec((1, H), fix),
        ],
        out_specs=[pl.BlockSpec((BLK, H), row), pl.BlockSpec((8, H), fix)],
        out_shape=[jax.ShapeDtypeStruct((N, H), jnp.float32),
                   jax.ShapeDtypeStruct((8, H), jnp.float32)],
    )


@functools.lru_cache(maxsize=None)
def _make_vn_mlp(H):
    H2 = 2 * H

    def ln(z, g, b):
        mu = jnp.mean(z, axis=-1, keepdims=True)
        zc = z - mu
        var = jnp.mean(zc * zc, axis=-1, keepdims=True)
        return zc * lax.rsqrt(var + 1e-5) * g + b

    def body(pooled, vn, w1t, b1, g1, be1, w2t, b2, g2, be2, out):
        t = pooled[0:1, :] + vn[...]
        z = jnp.dot(t, w1t[...], preferred_element_type=jnp.float32) + b1[...]
        z = jnp.maximum(z, 0.0)
        z = ln(z, g1[...], be1[...])
        z = jnp.dot(z, w2t[...], preferred_element_type=jnp.float32) + b2[...]
        z = jnp.maximum(z, 0.0)
        z = ln(z, g2[...], be2[...])
        out[...] = z

    return pl.pallas_call(
        body,
        out_shape=jax.ShapeDtypeStruct((1, H), jnp.float32),
    )


def kernel(x, edge_index, vn_embed, Wl, bl, Wr, bn_g, bn_b, mlp_W1, mlp_b1,
           mlp_ln1_g, mlp_ln1_b, mlp_W2, mlp_b2, mlp_ln2_g, mlp_ln2_b):
    N, D = x.shape
    E = edge_index.shape[1]
    L, H, _ = Wl.shape
    BLK = 1000

    K = 128
    EW = E // NW
    CH = (EW + K - 1) // K
    pad = CH * K - EW
    NP = N + 16
    src = edge_index[0].astype(jnp.int32).reshape(NW, EW)
    dst = edge_index[1].astype(jnp.int32).reshape(NW, EW)
    src = jnp.concatenate(
        [src, jnp.zeros((NW, pad), jnp.int32)], axis=1).reshape(NW, CH, K)
    pad_dst = N + jnp.broadcast_to(jnp.arange(pad, dtype=jnp.int32) % 16,
                                   (NW, pad))
    dst = jnp.concatenate([dst, pad_dst], axis=1).reshape(NW, CH, K)
    zl = NP - ((NP // NS) // 8 * 8) * (NS - 1)
    z_agg = jnp.zeros((zl, D), jnp.float32)
    ones_tab = jnp.ones((K, D), jnp.float32)

    WlT = jnp.swapaxes(Wl, 1, 2)
    WrT = jnp.swapaxes(Wr, 1, 2)
    W1T = jnp.swapaxes(mlp_W1, 1, 2)
    W2T = jnp.swapaxes(mlp_W2, 1, 2)

    segsum = _make_segsum(N, D, E)
    degsum = _make_segsum(N, D, E, gather=False)
    conv = _make_conv(N, D, H, BLK)
    bn_mid = _make_bn(N, H, BLK, True)
    bn_last = _make_bn(N, H, BLK, False)
    vn_mlp = _make_vn_mlp(H)

    h = x
    vn = vn_embed
    (degp,) = degsum(ones_tab, src, dst, z_agg)
    degp = degp[:, :N]
    for l in range(L):
        (aggp,) = segsum(h, src, dst, z_agg)
        aggp = aggp[:, :N]
        y, stats = conv(aggp[0], aggp[1], degp[0], degp[1], h, vn,
                        WlT[l], bl[l:l + 1], WrT[l])
        bn = bn_mid if l < L - 1 else bn_last
        h, pooled = bn(y, stats, bn_g[l:l + 1], bn_b[l:l + 1])
        if l < L - 1:
            vn = vn_mlp(pooled, vn, W1T[l], mlp_b1[l:l + 1],
                        mlp_ln1_g[l:l + 1], mlp_ln1_b[l:l + 1],
                        W2T[l], mlp_b2[l:l + 1],
                        mlp_ln2_g[l:l + 1], mlp_ln2_b[l:l + 1])
    return h

# --- scband reference (transcript-rebuilt; emitter-appended) ---
"""Pipeline reference for scband-vngnn-46188078301271 (READ-ONLY COPY).

The authoritative reference and input builder live on the scoring server;
editing this copy changes nothing except your own understanding.
"""

import jax, jax.numpy as jnp
import numpy as np

def _ln(z, g, b):
    mu = z.mean(-1, keepdims=True)
    var = z.var(-1, keepdims=True)
    return (z - mu) / jnp.sqrt(var + 1e-5) * g + b

def setup_inputs(seed=0):
    key = jax.random.key(seed)
    ks = jax.random.split(key, 8)
    N, E, D, H, L = 10000, 320000, 128, 128, 3
    s = 0.1
    x = jax.random.normal(ks[0], (N, D), jnp.float32)
    edge_index = jax.random.randint(ks[1], (2, E), 0, N)
    Wl = jax.random.normal(ks[2], (L, H, D), jnp.float32) * s
    bl = jnp.zeros((L, H), jnp.float32)
    Wr = jax.random.normal(ks[3], (L, H, D), jnp.float32) * s
    bn_g = jnp.ones((L, H), jnp.float32)
    bn_b = jnp.zeros((L, H), jnp.float32)
    vn_embed = jnp.zeros((1, D), jnp.float32)
    M = L - 1
    mlp_W1 = jax.random.normal(ks[4], (M, 2 * H, H), jnp.float32) * s
    mlp_b1 = jnp.zeros((M, 2 * H), jnp.float32)
    mlp_ln1_g = jnp.ones((M, 2 * H), jnp.float32)
    mlp_ln1_b = jnp.zeros((M, 2 * H), jnp.float32)
    mlp_W2 = jax.random.normal(ks[5], (M, H, 2 * H), jnp.float32) * s
    mlp_b2 = jnp.zeros((M, H), jnp.float32)
    mlp_ln2_g = jnp.ones((M, H), jnp.float32)
    mlp_ln2_b = jnp.zeros((M, H), jnp.float32)
    return {"x": x, "edge_index": edge_index, "vn_embed": vn_embed, "Wl": Wl, "bl": bl, "Wr": Wr, "bn_g": bn_g, "bn_b": bn_b, "mlp_W1": mlp_W1, "mlp_b1": mlp_b1, "mlp_ln1_g": mlp_ln1_g, "mlp_ln1_b": mlp_ln1_b, "mlp_W2": mlp_W2, "mlp_b2": mlp_b2, "mlp_ln2_g": mlp_ln2_g, "mlp_ln2_b": mlp_ln2_b}

def _forward(x, edge_index, vn_embed, Wl, bl, Wr, bn_g, bn_b, mlp_W1, mlp_b1, mlp_ln1_g, mlp_ln1_b, mlp_W2, mlp_b2, mlp_ln2_g, mlp_ln2_b):
    N = x.shape[0]
    src = edge_index[0]
    dst = edge_index[1]
    L = Wl.shape[0]
    vn = vn_embed
    h = x
    for layer in range(L):
        # broadcast virtual node embedding to all assigned nodes (vn_idx='full', sum aggregation, 1 VN)
        h = h + vn[0][None, :]
        # SAGEConv: mean aggregation of incoming messages + root transform
        msg = h[src]
        agg = jax.ops.segment_sum(msg, dst, num_segments=N)
        deg = jax.ops.segment_sum(jnp.ones((src.shape[0],), h.dtype), dst, num_segments=N)
        agg = agg / jnp.maximum(deg, 1.0)[:, None]
        h = agg @ Wl[layer].T + bl[layer] + h @ Wr[layer].T
        # BatchNorm1d (training-mode batch statistics)
        mu = h.mean(0)
        var = h.var(0)
        h = (h - mu) / jnp.sqrt(var + 1e-5) * bn_g[layer] + bn_b[layer]
        if layer < L - 1:
            h = jax.nn.relu(h)
            # update virtual node: sum-pool assigned nodes (all nodes for 'full') + residual, then MLP
            pooled = h.sum(0)
            t = pooled + vn[0]
            z = t @ mlp_W1[layer].T + mlp_b1[layer]
            z = jax.nn.relu(z)
            z = _ln(z, mlp_ln1_g[layer], mlp_ln1_b[layer])
            z = z @ mlp_W2[layer].T + mlp_b2[layer]
            z = jax.nn.relu(z)
            z = _ln(z, mlp_ln2_g[layer], mlp_ln2_b[layer])
            vn = z[None, :]
    return h

def reference(x, edge_index, vn_embed, Wl, bl, Wr, bn_g, bn_b, mlp_W1, mlp_b1, mlp_ln1_g, mlp_ln1_b, mlp_W2, mlp_b2, mlp_ln2_g, mlp_ln2_b):
    return _forward(x, edge_index, vn_embed, Wl, bl, Wr, bn_g, bn_b, mlp_W1, mlp_b1, mlp_ln1_g, mlp_ln1_b, mlp_W2, mlp_b2, mlp_ln2_g, mlp_ln2_b)

if __name__ == "__main__":
    import jax
    _d = setup_inputs()
    print(jax.jit(kernel)(*tuple(_d.values())))

</pallas_src>

<mosaic_0001>
#map = affine_map<(d0, d1) -> (0, 0)>
#map1 = affine_map<(d0, d1) -> (0, 0, 0)>
module attributes {stable_mosaic.version = 14 : i64} {
  func.func @body(%arg0: i32, %arg1: i32, %arg2: memref<10000x128xf32, #tpu.memory_space<hbm>>, %arg3: memref<32x79x128xi32, #tpu.memory_space<hbm>>, %arg4: memref<32x79x128xi32, #tpu.memory_space<hbm>>, %arg5: memref<656x128xf32, #tpu.memory_space<hbm>>, %arg6: memref<2x10016x128xf32, #tpu.memory_space<hbm>>, %arg7: memref<79x128xi32, #tpu.memory_space<vmem>>, %arg8: memref<79x128xi32, #tpu.memory_space<vmem>>, %arg9: memref<128x128xf32, #tpu.memory_space<vmem>>, %arg10: memref<10016x128xf32, #tpu.memory_space<vmem_shared>>, %arg11: memref<!tpu.dma_semaphore, #tpu.memory_space<semaphore_mem>>) attributes {dimension_semantics = [#tpu.dimension_semantics<core_parallel>, #tpu.dimension_semantics<subcore_parallel>], iteration_bounds = array<i64: 2, 16>, scalar_prefetch = 0 : i64, scratch_operands = 5 : i64, tpu.core_type = #tpu.core_type<sc_vector_subcore>, window_params = [{transform_indices = #map}, {transform_indices = #map1}, {transform_indices = #map1}, {transform_indices = #map}, {transform_indices = #map1}]} {
    %mul3A = arith.constant 2 : i32
    %mul3A_0 = arith.muli %arg1, %mul3A : i32
    %add3A = arith.addi %mul3A_0, %arg0 : i32
    "tpu.region"() ({
      %run_scoped3A = tpu.sem_alloc : memref<!tpu.dma_semaphore, #tpu.memory_space<semaphore_mem>>
      %dma_start3A = arith.constant 0 : i32
      %dma_start3A_23 = arith.constant 0 : i32
      %dma_start3A_24 = tpu.memref_slice %arg3[%add3A, %dma_start3A, %dma_start3A_23] : memref<32x79x128xi32, #tpu.memory_space<hbm>> -> memref<1x79x128xi32, #tpu.memory_space<hbm>>
      %dma_start3A_25 = tpu.memref_squeeze %dma_start3A_24 : memref<1x79x128xi32, #tpu.memory_space<hbm>> -> memref<79x128xi32, #tpu.memory_space<hbm>>
      %dma_start3A_26 = arith.constant 0 : i32
      %dma_start3A_27 = arith.constant 0 : i32
      %dma_start3A_28 = tpu.memref_slice %arg3[%add3A, %dma_start3A_26, %dma_start3A_27] : memref<32x79x128xi32, #tpu.memory_space<hbm>> -> memref<1x79x128xi32, #tpu.memory_space<hbm>>
      %dma_start3A_29 = tpu.memref_squeeze %dma_start3A_28 : memref<1x79x128xi32, #tpu.memory_space<hbm>> -> memref<79x128xi32, #tpu.memory_space<hbm>>
      tpu.enqueue_dma source(%dma_start3A_29 : memref<79x128xi32, #tpu.memory_space<hbm>>) target(%arg7 : memref<79x128xi32, #tpu.memory_space<vmem>>) target_semaphore(%run_scoped3A : memref<!tpu.dma_semaphore, #tpu.memory_space<semaphore_mem>>)
      %dma_wait3A = arith.constant 0 : i32
      %dma_wait3A_30 = arith.constant 0 : i32
      %dma_wait3A_31 = tpu.memref_slice %arg3[%add3A, %dma_wait3A, %dma_wait3A_30] : memref<32x79x128xi32, #tpu.memory_space<hbm>> -> memref<1x79x128xi32, #tpu.memory_space<hbm>>
      %dma_wait3A_32 = tpu.memref_squeeze %dma_wait3A_31 : memref<1x79x128xi32, #tpu.memory_space<hbm>> -> memref<79x128xi32, #tpu.memory_space<hbm>>
      %dma_wait3A_33 = arith.constant 0 : i32
      %dma_wait3A_34 = arith.constant 0 : i32
      %dma_wait3A_35 = tpu.memref_slice %arg3[%add3A, %dma_wait3A_33, %dma_wait3A_34] : memref<32x79x128xi32, #tpu.memory_space<hbm>> -> memref<1x79x128xi32, #tpu.memory_space<hbm>>
      %dma_wait3A_36 = tpu.memref_squeeze %dma_wait3A_35 : memref<1x79x128xi32, #tpu.memory_space<hbm>> -> memref<79x128xi32, #tpu.memory_space<hbm>>
      tpu.wait_dma2 semaphore(%run_scoped3A : memref<!tpu.dma_semaphore, #tpu.memory_space<semaphore_mem>>) src(%dma_wait3A_36 : memref<79x128xi32, #tpu.memory_space<hbm>>) dst(%arg7 : memref<79x128xi32, #tpu.memory_space<vmem>>)
      tpu.yield
    }) : () -> ()
    "tpu.region"() ({
      %run_scoped3A = tpu.sem_alloc : memref<!tpu.dma_semaphore, #tpu.memory_space<semaphore_mem>>
      %dma_start3A = arith.constant 0 : i32
      %dma_start3A_23 = arith.constant 0 : i32
      %dma_start3A_24 = tpu.memref_slice %arg4[%add3A, %dma_start3A, %dma_start3A_23] : memref<32x79x128xi32, #tpu.memory_space<hbm>> -> memref<1x79x128xi32, #tpu.memory_space<hbm>>
      %dma_start3A_25 = tpu.memref_squeeze %dma_start3A_24 : memref<1x79x128xi32, #tpu.memory_space<hbm>> -> memref<79x128xi32, #tpu.memory_space<hbm>>
      %dma_start3A_26 = arith.constant 0 : i32
      %dma_start3A_27 = arith.constant 0 : i32
      %dma_start3A_28 = tpu.memref_slice %arg4[%add3A, %dma_start3A_26, %dma_start3A_27] : memref<32x79x128xi32, #tpu.memory_space<hbm>> -> memref<1x79x128xi32, #tpu.memory_space<hbm>>
      %dma_start3A_29 = tpu.memref_squeeze %dma_start3A_28 : memref<1x79x128xi32, #tpu.memory_space<hbm>> -> memref<79x128xi32, #tpu.memory_space<hbm>>
      tpu.enqueue_dma source(%dma_start3A_29 : memref<79x128xi32, #tpu.memory_space<hbm>>) target(%arg8 : memref<79x128xi32, #tpu.memory_space<vmem>>) target_semaphore(%run_scoped3A : memref<!tpu.dma_semaphore, #tpu.memory_space<semaphore_mem>>)
      %dma_wait3A = arith.constant 0 : i32
      %dma_wait3A_30 = arith.constant 0 : i32
      %dma_wait3A_31 = tpu.memref_slice %arg4[%add3A, %dma_wait3A, %dma_wait3A_30] : memref<32x79x128xi32, #tpu.memory_space<hbm>> -> memref<1x79x128xi32, #tpu.memory_space<hbm>>
      %dma_wait3A_32 = tpu.memref_squeeze %dma_wait3A_31 : memref<1x79x128xi32, #tpu.memory_space<hbm>> -> memref<79x128xi32, #tpu.memory_space<hbm>>
      %dma_wait3A_33 = arith.constant 0 : i32
      %dma_wait3A_34 = arith.constant 0 : i32
      %dma_wait3A_35 = tpu.memref_slice %arg4[%add3A, %dma_wait3A_33, %dma_wait3A_34] : memref<32x79x128xi32, #tpu.memory_space<hbm>> -> memref<1x79x128xi32, #tpu.memory_space<hbm>>
      %dma_wait3A_36 = tpu.memref_squeeze %dma_wait3A_35 : memref<1x79x128xi32, #tpu.memory_space<hbm>> -> memref<79x128xi32, #tpu.memory_space<hbm>>
      tpu.wait_dma2 semaphore(%run_scoped3A : memref<!tpu.dma_semaphore, #tpu.memory_space<semaphore_mem>>) src(%dma_wait3A_36 : memref<79x128xi32, #tpu.memory_space<hbm>>) dst(%arg8 : memref<79x128xi32, #tpu.memory_space<vmem>>)
      tpu.yield
    }) : () -> ()
    %lt3A = arith.constant 15 : i32
    %lt3A_1 = arith.cmpi slt, %arg1, %lt3A : i32
    %convert_element_type3A = arith.extui %lt3A_1 : i1 to i32
    %cond3A = arith.constant 0 : i32
    %cond3A_2 = arith.cmpi ne, %convert_element_type3A, %cond3A : i32
    scf.if %cond3A_2 {
      %mul3A_23 = arith.constant 624 : i32
      %mul3A_24 = arith.muli %arg1, %mul3A_23 : i32
      %mul3A_25 = arith.constant 624 : i32
      %mul3A_26 = arith.muli %arg1, %mul3A_25 : i32
      "tpu.region"() ({
        %run_scoped3A = tpu.sem_alloc : memref<!tpu.dma_semaphore, #tpu.memory_space<semaphore_mem>>
        %dma_start3A = arith.constant 0 : i32
        %dma_start3A_27 = tpu.memref_slice %arg10[%mul3A_26, %dma_start3A] : memref<10016x128xf32, #tpu.memory_space<vmem_shared>> -> memref<624x128xf32, #tpu.memory_space<vmem_shared>>
        %dma_start3A_28 = arith.constant 0 : i32
        %dma_start3A_29 = arith.constant 0 : i32
        %dma_start3A_30 = tpu.memref_slice %arg5[%dma_start3A_28, %dma_start3A_29] : memref<656x128xf32, #tpu.memory_space<hbm>> -> memref<624x128xf32, #tpu.memory_space<hbm>>
        tpu.enqueue_dma source(%dma_start3A_30 : memref<624x128xf32, #tpu.memory_space<hbm>>) target(%dma_start3A_27 : memref<624x128xf32, #tpu.memory_space<vmem_shared>>) target_semaphore(%run_scoped3A : memref<!tpu.dma_semaphore, #tpu.memory_space<semaphore_mem>>)
        %dma_wait3A = arith.constant 0 : i32
        %dma_wait3A_31 = tpu.memref_slice %arg10[%mul3A_26, %dma_wait3A] : memref<10016x128xf32, #tpu.memory_space<vmem_shared>> -> memref<624x128xf32, #tpu.memory_space<vmem_shared>>
        %dma_wait3A_32 = arith.constant 0 : i32
        %dma_wait3A_33 = arith.constant 0 : i32
        %dma_wait3A_34 = tpu.memref_slice %arg5[%dma_wait3A_32, %dma_wait3A_33] : memref<656x128xf32, #tpu.memory_space<hbm>> -> memref<624x128xf32, #tpu.memory_space<hbm>>
        tpu.wait_dma2 semaphore(%run_scoped3A : memref<!tpu.dma_semaphore, #tpu.memory_space<semaphore_mem>>) src(%dma_wait3A_34 : memref<624x128xf32, #tpu.memory_space<hbm>>) dst(%dma_wait3A_31 : memref<624x128xf32, #tpu.memory_space<vmem_shared>>)
        tpu.yield
      }) : () -> ()
    } else {
    }
    %eq3A = arith.constant 15 : i32
    %eq3A_3 = arith.cmpi eq, %arg1, %eq3A : i32
    %convert_element_type3A_4 = arith.extui %eq3A_3 : i1 to i32
    %cond3A_5 = arith.constant 0 : i32
    %cond3A_6 = arith.cmpi ne, %convert_element_type3A_4, %cond3A_5 : i32
    scf.if %cond3A_6 {
      "tpu.region"() ({
        %run_scoped3A = tpu.sem_alloc : memref<!tpu.dma_semaphore, #tpu.memory_space<semaphore_mem>>
        %dma_start3A = arith.constant 9360 : i32
        %dma_start3A_23 = arith.constant 0 : i32
        %dma_start3A_24 = tpu.memref_slice %arg10[%dma_start3A, %dma_start3A_23] : memref<10016x128xf32, #tpu.memory_space<vmem_shared>> -> memref<656x128xf32, #tpu.memory_space<vmem_shared>>
        %dma_start3A_25 = arith.constant 0 : i32
        %dma_start3A_26 = arith.constant 0 : i32
        %dma_start3A_27 = tpu.memref_slice %arg5[%dma_start3A_25, %dma_start3A_26] : memref<656x128xf32, #tpu.memory_space<hbm>> -> memref<656x128xf32, #tpu.memory_space<hbm>>
        tpu.enqueue_dma source(%dma_start3A_27 : memref<656x128xf32, #tpu.memory_space<hbm>>) target(%dma_start3A_24 : memref<656x128xf32, #tpu.memory_space<vmem_shared>>) target_semaphore(%run_scoped3A : memref<!tpu.dma_semaphore, #tpu.memory_space<semaphore_mem>>)
        %dma_wait3A = arith.constant 9360 : i32
        %dma_wait3A_28 = arith.constant 0 : i32
        %dma_wait3A_29 = tpu.memref_slice %arg10[%dma_wait3A, %dma_wait3A_28] : memref<10016x128xf32, #tpu.memory_space<vmem_shared>> -> memref<656x128xf32, #tpu.memory_space<vmem_shared>>
        %dma_wait3A_30 = arith.constant 0 : i32
        %dma_wait3A_31 = arith.constant 0 : i32
        %dma_wait3A_32 = tpu.memref_slice %arg5[%dma_wait3A_30, %dma_wait3A_31] : memref<656x128xf32, #tpu.memory_space<hbm>> -> memref<656x128xf32, #tpu.memory_space<hbm>>
        tpu.wait_dma2 semaphore(%run_scoped3A : memref<!tpu.dma_semaphore, #tpu.memory_space<semaphore_mem>>) src(%dma_wait3A_32 : memref<656x128xf32, #tpu.memory_space<hbm>>) dst(%dma_wait3A_29 : memref<656x128xf32, #tpu.memory_space<vmem_shared>>)
        tpu.yield
      }) : () -> ()
    } else {
    }
    %barrier3A = arith.constant 0 : index
    tpu.barrier barrier_id(%barrier3A)
    %scan3A = arith.constant 0 : i32
    %scan3A_7 = arith.constant 0 : i32
    %scan3A_8 = arith.constant 79 : i32
    %scan3A_9 = arith.addi %scan3A_7, %scan3A_8 : i32
    %scan3A_10 = arith.constant 1 : i32
    scf.for %scan3A_23 = %scan3A_7 to %scan3A_9 step %scan3A_10  : i32 {
      %dma_start3A = arith.constant 0 : i32
      %dma_start3A_24 = tpu.memref_slice %arg7[%scan3A_23, %dma_start3A] : memref<79x128xi32, #tpu.memory_space<vmem>> -> memref<1x128xi32, #tpu.memory_space<vmem>>
      %dma_start3A_25 = tpu.memref_squeeze %dma_start3A_24 : memref<1x128xi32, #tpu.memory_space<vmem>> -> memref<128xi32, #tpu.memory_space<vmem>>
      %dma_start3A_26 = arith.constant 0 : i32
      %dma_start3A_27 = arith.constant 0 : i32
      %dma_start3A_28 = tpu.memref_slice %arg2[%dma_start3A_26, %dma_start3A_27] : memref<10000x128xf32, #tpu.memory_space<hbm>> -> memref<10000x128xf32, #tpu.memory_space<hbm>>
      tpu.enqueue_indirect_dma source(%dma_start3A_28 : memref<10000x128xf32, #tpu.memory_space<hbm>>) target(%arg9 : memref<128x128xf32, #tpu.memory_space<vmem>>) offsets(%dma_start3A_25 : memref<128xi32, #tpu.memory_space<vmem>>) semaphore(%arg11 : memref<!tpu.dma_semaphore, #tpu.memory_space<semaphore_mem>>)
      %dma_wait3A = arith.constant 0 : i32
      %dma_wait3A_29 = tpu.memref_slice %arg7[%scan3A_23, %dma_wait3A] : memref<79x128xi32, #tpu.memory_space<vmem>> -> memref<1x128xi32, #tpu.memory_space<vmem>>
      %dma_wait3A_30 = tpu.memref_squeeze %dma_wait3A_29 : memref<1x128xi32, #tpu.memory_space<vmem>> -> memref<128xi32, #tpu.memory_space<vmem>>
      %dma_wait3A_31 = arith.constant 0 : i32
      %dma_wait3A_32 = arith.constant 0 : i32
      %dma_wait3A_33 = tpu.memref_slice %arg2[%dma_wait3A_31, %dma_wait3A_32] : memref<10000x128xf32, #tpu.memory_space<hbm>> -> memref<10000x128xf32, #tpu.memory_space<hbm>>
      tpu.wait_indirect_dma semaphore(%arg11 : memref<!tpu.dma_semaphore, #tpu.memory_space<semaphore_mem>>) src(%dma_wait3A_33 : memref<10000x128xf32, #tpu.memory_space<hbm>>) dst(%arg9 : memref<128x128xf32, #tpu.memory_space<vmem>>)
      "tpu.region"() ({
        %run_scoped3A = tpu.sem_alloc : memref<!tpu.dma_semaphore, #tpu.memory_space<semaphore_mem>>
        %dma_start3A_34 = arith.constant 0 : i32
        %dma_start3A_35 = tpu.memref_slice %arg8[%scan3A_23, %dma_start3A_34] : memref<79x128xi32, #tpu.memory_space<vmem>> -> memref<1x128xi32, #tpu.memory_space<vmem>>
        %dma_start3A_36 = tpu.memref_squeeze %dma_start3A_35 : memref<1x128xi32, #tpu.memory_space<vmem>> -> memref<128xi32, #tpu.memory_space<vmem>>
        %dma_start3A_37 = arith.constant 0 : i32
        %dma_start3A_38 = arith.constant 0 : i32
        %dma_start3A_39 = tpu.memref_slice %arg10[%dma_start3A_37, %dma_start3A_38] : memref<10016x128xf32, #tpu.memory_space<vmem_shared>> -> memref<10016x128xf32, #tpu.memory_space<vmem_shared>>
        tpu.enqueue_indirect_dma source(%arg9 : memref<128x128xf32, #tpu.memory_space<vmem>>) target(%dma_start3A_39 : memref<10016x128xf32, #tpu.memory_space<vmem_shared>>) offsets(%dma_start3A_36 : memref<128xi32, #tpu.memory_space<vmem>>) semaphore(%run_scoped3A : memref<!tpu.dma_semaphore, #tpu.memory_space<semaphore_mem>>) {add = true}
        %dma_wait3A_40 = arith.constant 0 : i32
        %dma_wait3A_41 = tpu.memref_slice %arg8[%scan3A_23, %dma_wait3A_40] : memref<79x128xi32, #tpu.memory_space<vmem>> -> memref<1x128xi32, #tpu.memory_space<vmem>>
        %dma_wait3A_42 = tpu.memref_squeeze %dma_wait3A_41 : memref<1x128xi32, #tpu.memory_space<vmem>> -> memref<128xi32, #tpu.memory_space<vmem>>
        %dma_wait3A_43 = arith.constant 0 : i32
        %dma_wait3A_44 = arith.constant 0 : i32
        %dma_wait3A_45 = tpu.memref_slice %arg10[%dma_wait3A_43, %dma_wait3A_44] : memref<10016x128xf32, #tpu.memory_space<vmem_shared>> -> memref<10016x128xf32, #tpu.memory_space<vmem_shared>>
        tpu.wait_indirect_dma semaphore(%run_scoped3A : memref<!tpu.dma_semaphore, #tpu.memory_space<semaphore_mem>>) src(%arg9 : memref<128x128xf32, #tpu.memory_space<vmem>>) dst(%dma_wait3A_45 : memref<10016x128xf32, #tpu.memory_space<vmem_shared>>)
        tpu.yield
      }) : () -> ()
    }
    %scan3A_11 = arith.constant 79 : i32
    %barrier3A_12 = arith.constant 0 : index
    tpu.barrier barrier_id(%barrier3A_12)
    %lt3A_13 = arith.constant 15 : i32
    %lt3A_14 = arith.cmpi slt, %arg1, %lt3A_13 : i32
    %convert_element_type3A_15 = arith.extui %lt3A_14 : i1 to i32
    %cond3A_16 = arith.constant 0 : i32
    %cond3A_17 = arith.cmpi ne, %convert_element_type3A_15, %cond3A_16 : i32
    scf.if %cond3A_17 {
      %mul3A_23 = arith.constant 624 : i32
      %mul3A_24 = arith.muli %arg1, %mul3A_23 : i32
      %mul3A_25 = arith.constant 624 : i32
      %mul3A_26 = arith.muli %arg1, %mul3A_25 : i32
      "tpu.region"() ({
        %run_scoped3A = tpu.sem_alloc : memref<!tpu.dma_semaphore, #tpu.memory_space<semaphore_mem>>
        %dma_start3A = arith.constant 0 : i32
        %dma_start3A_27 = tpu.memref_slice %arg6[%arg0, %mul3A_26, %dma_start3A] : memref<2x10016x128xf32, #tpu.memory_space<hbm>> -> memref<1x624x128xf32, #tpu.memory_space<hbm>>
        %dma_start3A_28 = tpu.memref_squeeze %dma_start3A_27 : memref<1x624x128xf32, #tpu.memory_space<hbm>> -> memref<624x128xf32, #tpu.memory_space<hbm>>
        %dma_start3A_29 = arith.constant 0 : i32
        %dma_start3A_30 = tpu.memref_slice %arg10[%mul3A_24, %dma_start3A_29] : memref<10016x128xf32, #tpu.memory_space<vmem_shared>> -> memref<624x128xf32, #tpu.memory_space<vmem_shared>>
        tpu.enqueue_dma source(%dma_start3A_30 : memref<624x128xf32, #tpu.memory_space<vmem_shared>>) target(%dma_start3A_28 : memref<624x128xf32, #tpu.memory_space<hbm>>) target_semaphore(%run_scoped3A : memref<!tpu.dma_semaphore, #tpu.memory_space<semaphore_mem>>)
        %dma_wait3A = arith.constant 0 : i32
        %dma_wait3A_31 = tpu.memref_slice %arg6[%arg0, %mul3A_26, %dma_wait3A] : memref<2x10016x128xf32, #tpu.memory_space<hbm>> -> memref<1x624x128xf32, #tpu.memory_space<hbm>>
        %dma_wait3A_32 = tpu.memref_squeeze %dma_wait3A_31 : memref<1x624x128xf32, #tpu.memory_space<hbm>> -> memref<624x128xf32, #tpu.memory_space<hbm>>
        %dma_wait3A_33 = arith.constant 0 : i32
        %dma_wait3A_34 = tpu.memref_slice %arg10[%mul3A_24, %dma_wait3A_33] : memref<10016x128xf32, #tpu.memory_space<vmem_shared>> -> memref<624x128xf32, #tpu.memory_space<vmem_shared>>
        tpu.wait_dma2 semaphore(%run_scoped3A : memref<!tpu.dma_semaphore, #tpu.memory_space<semaphore_mem>>) src(%dma_wait3A_34 : memref<624x128xf32, #tpu.memory_space<vmem_shared>>) dst(%dma_wait3A_32 : memref<624x128xf32, #tpu.memory_space<hbm>>)
        tpu.yield
      }) : () -> ()
    } else {
    }
    %eq3A_18 = arith.constant 15 : i32
    %eq3A_19 = arith.cmpi eq, %arg1, %eq3A_18 : i32
    %convert_element_type3A_20 = arith.extui %eq3A_19 : i1 to i32
    %cond3A_21 = arith.constant 0 : i32
    %cond3A_22 = arith.cmpi ne, %convert_element_type3A_20, %cond3A_21 : i32
    scf.if %cond3A_22 {
      "tpu.region"() ({
        %run_scoped3A = tpu.sem_alloc : memref<!tpu.dma_semaphore, #tpu.memory_space<semaphore_mem>>
        %dma_start3A = arith.constant 9360 : i32
        %dma_start3A_23 = arith.constant 0 : i32
        %dma_start3A_24 = tpu.memref_slice %arg6[%arg0, %dma_start3A, %dma_start3A_23] : memref<2x10016x128xf32, #tpu.memory_space<hbm>> -> memref<1x656x128xf32, #tpu.memory_space<hbm>>
        %dma_start3A_25 = tpu.memref_squeeze %dma_start3A_24 : memref<1x656x128xf32, #tpu.memory_space<hbm>> -> memref<656x128xf32, #tpu.memory_space<hbm>>
        %dma_start3A_26 = arith.constant 9360 : i32
        %dma_start3A_27 = arith.constant 0 : i32
        %dma_start3A_28 = tpu.memref_slice %arg10[%dma_start3A_26, %dma_start3A_27] : memref<10016x128xf32, #tpu.memory_space<vmem_shared>> -> memref<656x128xf32, #tpu.memory_space<vmem_shared>>
        tpu.enqueue_dma source(%dma_start3A_28 : memref<656x128xf32, #tpu.memory_space<vmem_shared>>) target(%dma_start3A_25 : memref<656x128xf32, #tpu.memory_space<hbm>>) target_semaphore(%run_scoped3A : memref<!tpu.dma_semaphore, #tpu.memory_space<semaphore_mem>>)
        %dma_wait3A = arith.constant 9360 : i32
        %dma_wait3A_29 = arith.constant 0 : i32
        %dma_wait3A_30 = tpu.memref_slice %arg6[%arg0, %dma_wait3A, %dma_wait3A_29] : memref<2x10016x128xf32, #tpu.memory_space<hbm>> -> memref<1x656x128xf32, #tpu.memory_space<hbm>>
        %dma_wait3A_31 = tpu.memref_squeeze %dma_wait3A_30 : memref<1x656x128xf32, #tpu.memory_space<hbm>> -> memref<656x128xf32, #tpu.memory_space<hbm>>
        %dma_wait3A_32 = arith.constant 9360 : i32
        %dma_wait3A_33 = arith.constant 0 : i32
        %dma_wait3A_34 = tpu.memref_slice %arg10[%dma_wait3A_32, %dma_wait3A_33] : memref<10016x128xf32, #tpu.memory_space<vmem_shared>> -> memref<656x128xf32, #tpu.memory_space<vmem_shared>>
        tpu.wait_dma2 semaphore(%run_scoped3A : memref<!tpu.dma_semaphore, #tpu.memory_space<semaphore_mem>>) src(%dma_wait3A_34 : memref<656x128xf32, #tpu.memory_space<vmem_shared>>) dst(%dma_wait3A_31 : memref<656x128xf32, #tpu.memory_space<hbm>>)
        tpu.yield
      }) : () -> ()
    } else {
    }
    return
  }
}

#map = affine_map<(d0, d1) -> (0, 0)>
#map1 = affine_map<(d0, d1) -> (0, 0, 0)>
module attributes {stable_mosaic.version = 14 : i64} {
  func.func @body(%arg0: i32, %arg1: i32, %arg2: memref<128x128xf32, #tpu.memory_space<hbm>>, %arg3: memref<32x79x128xi32, #tpu.memory_space<hbm>>, %arg4: memref<32x79x128xi32, #tpu.memory_space<hbm>>, %arg5: memref<656x128xf32, #tpu.memory_space<hbm>>, %arg6: memref<2x10016x128xf32, #tpu.memory_space<hbm>>, %arg7: memref<79x128xi32, #tpu.memory_space<vmem>>, %arg8: memref<79x128xi32, #tpu.memory_space<vmem>>, %arg9: memref<128x128xf32, #tpu.memory_space<vmem>>, %arg10: memref<10016x128xf32, #tpu.memory_space<vmem_shared>>, %arg11: memref<!tpu.dma_semaphore, #tpu.memory_space<semaphore_mem>>) attributes {dimension_semantics = [#tpu.dimension_semantics<core_parallel>, #tpu.dimension_semantics<subcore_parallel>], iteration_bounds = array<i64: 2, 16>, scalar_prefetch = 0 : i64, scratch_operands = 5 : i64, tpu.core_type = #tpu.core_type<sc_vector_subcore>, window_params = [{transform_indices = #map}, {transform_indices = #map1}, {transform_indices = #map1}, {transform_indices = #map}, {transform_indices = #map1}]} {
    %mul3A = arith.constant 2 : i32
    %mul3A_0 = arith.muli %arg1, %mul3A : i32
    %add3A = arith.addi %mul3A_0, %arg0 : i32
    "tpu.region"() ({
      %run_scoped3A = tpu.sem_alloc : memref<!tpu.dma_semaphore, #tpu.memory_space<semaphore_mem>>
      tpu.enqueue_dma source(%arg2 : memref<128x128xf32, #tpu.memory_space<hbm>>) target(%arg9 : memref<128x128xf32, #tpu.memory_space<vmem>>) target_semaphore(%run_scoped3A : memref<!tpu.dma_semaphore, #tpu.memory_space<semaphore_mem>>)
      tpu.wait_dma2 semaphore(%run_scoped3A : memref<!tpu.dma_semaphore, #tpu.memory_space<semaphore_mem>>) src(%arg2 : memref<128x128xf32, #tpu.memory_space<hbm>>) dst(%arg9 : memref<128x128xf32, #tpu.memory_space<vmem>>)
      tpu.yield
    }) : () -> ()
    "tpu.region"() ({
      %run_scoped3A = tpu.sem_alloc : memref<!tpu.dma_semaphore, #tpu.memory_space<semaphore_mem>>
      %dma_start3A = arith.constant 0 : i32
      %dma_start3A_23 = arith.constant 0 : i32
      %dma_start3A_24 = tpu.memref_slice %arg4[%add3A, %dma_start3A, %dma_start3A_23] : memref<32x79x128xi32, #tpu.memory_space<hbm>> -> memref<1x79x128xi32, #tpu.memory_space<hbm>>
      %dma_start3A_25 = tpu.memref_squeeze %dma_start3A_24 : memref<1x79x128xi32, #tpu.memory_space<hbm>> -> memref<79x128xi32, #tpu.memory_space<hbm>>
      %dma_start3A_26 = arith.constant 0 : i32
      %dma_start3A_27 = arith.constant 0 : i32
      %dma_start3A_28 = tpu.memref_slice %arg4[%add3A, %dma_start3A_26, %dma_start3A_27] : memref<32x79x128xi32, #tpu.memory_space<hbm>> -> memref<1x79x128xi32, #tpu.memory_space<hbm>>
      %dma_start3A_29 = tpu.memref_squeeze %dma_start3A_28 : memref<1x79x128xi32, #tpu.memory_space<hbm>> -> memref<79x128xi32, #tpu.memory_space<hbm>>
      tpu.enqueue_dma source(%dma_start3A_29 : memref<79x128xi32, #tpu.memory_space<hbm>>) target(%arg8 : memref<79x128xi32, #tpu.memory_space<vmem>>) target_semaphore(%run_scoped3A : memref<!tpu.dma_semaphore, #tpu.memory_space<semaphore_mem>>)
      %dma_wait3A = arith.constant 0 : i32
      %dma_wait3A_30 = arith.constant 0 : i32
      %dma_wait3A_31 = tpu.memref_slice %arg4[%add3A, %dma_wait3A, %dma_wait3A_30] : memref<32x79x128xi32, #tpu.memory_space<hbm>> -> memref<1x79x128xi32, #tpu.memory_space<hbm>>
      %dma_wait3A_32 = tpu.memref_squeeze %dma_wait3A_31 : memref<1x79x128xi32, #tpu.memory_space<hbm>> -> memref<79x128xi32, #tpu.memory_space<hbm>>
      %dma_wait3A_33 = arith.constant 0 : i32
      %dma_wait3A_34 = arith.constant 0 : i32
      %dma_wait3A_35 = tpu.memref_slice %arg4[%add3A, %dma_wait3A_33, %dma_wait3A_34] : memref<32x79x128xi32, #tpu.memory_space<hbm>> -> memref<1x79x128xi32, #tpu.memory_space<hbm>>
      %dma_wait3A_36 = tpu.memref_squeeze %dma_wait3A_35 : memref<1x79x128xi32, #tpu.memory_space<hbm>> -> memref<79x128xi32, #tpu.memory_space<hbm>>
      tpu.wait_dma2 semaphore(%run_scoped3A : memref<!tpu.dma_semaphore, #tpu.memory_space<semaphore_mem>>) src(%dma_wait3A_36 : memref<79x128xi32, #tpu.memory_space<hbm>>) dst(%arg8 : memref<79x128xi32, #tpu.memory_space<vmem>>)
      tpu.yield
    }) : () -> ()
    %lt3A = arith.constant 15 : i32
    %lt3A_1 = arith.cmpi slt, %arg1, %lt3A : i32
    %convert_element_type3A = arith.extui %lt3A_1 : i1 to i32
    %cond3A = arith.constant 0 : i32
    %cond3A_2 = arith.cmpi ne, %convert_element_type3A, %cond3A : i32
    scf.if %cond3A_2 {
      %mul3A_23 = arith.constant 624 : i32
      %mul3A_24 = arith.muli %arg1, %mul3A_23 : i32
      %mul3A_25 = arith.constant 624 : i32
      %mul3A_26 = arith.muli %arg1, %mul3A_25 : i32
      "tpu.region"() ({
        %run_scoped3A = tpu.sem_alloc : memref<!tpu.dma_semaphore, #tpu.memory_space<semaphore_mem>>
        %dma_start3A = arith.constant 0 : i32
        %dma_start3A_27 = tpu.memref_slice %arg10[%mul3A_26, %dma_start3A] : memref<10016x128xf32, #tpu.memory_space<vmem_shared>> -> memref<624x128xf32, #tpu.memory_space<vmem_shared>>
        %dma_start3A_28 = arith.constant 0 : i32
        %dma_start3A_29 = arith.constant 0 : i32
        %dma_start3A_30 = tpu.memref_slice %arg5[%dma_start3A_28, %dma_start3A_29] : memref<656x128xf32, #tpu.memory_space<hbm>> -> memref<624x128xf32, #tpu.memory_space<hbm>>
        tpu.enqueue_dma source(%dma_start3A_30 : memref<624x128xf32, #tpu.memory_space<hbm>>) target(%dma_start3A_27 : memref<624x128xf32, #tpu.memory_space<vmem_shared>>) target_semaphore(%run_scoped3A : memref<!tpu.dma_semaphore, #tpu.memory_space<semaphore_mem>>)
        %dma_wait3A = arith.constant 0 : i32
        %dma_wait3A_31 = tpu.memref_slice %arg10[%mul3A_26, %dma_wait3A] : memref<10016x128xf32, #tpu.memory_space<vmem_shared>> -> memref<624x128xf32, #tpu.memory_space<vmem_shared>>
        %dma_wait3A_32 = arith.constant 0 : i32
        %dma_wait3A_33 = arith.constant 0 : i32
        %dma_wait3A_34 = tpu.memref_slice %arg5[%dma_wait3A_32, %dma_wait3A_33] : memref<656x128xf32, #tpu.memory_space<hbm>> -> memref<624x128xf32, #tpu.memory_space<hbm>>
        tpu.wait_dma2 semaphore(%run_scoped3A : memref<!tpu.dma_semaphore, #tpu.memory_space<semaphore_mem>>) src(%dma_wait3A_34 : memref<624x128xf32, #tpu.memory_space<hbm>>) dst(%dma_wait3A_31 : memref<624x128xf32, #tpu.memory_space<vmem_shared>>)
        tpu.yield
      }) : () -> ()
    } else {
    }
    %eq3A = arith.constant 15 : i32
    %eq3A_3 = arith.cmpi eq, %arg1, %eq3A : i32
    %convert_element_type3A_4 = arith.extui %eq3A_3 : i1 to i32
    %cond3A_5 = arith.constant 0 : i32
    %cond3A_6 = arith.cmpi ne, %convert_element_type3A_4, %cond3A_5 : i32
    scf.if %cond3A_6 {
      "tpu.region"() ({
        %run_scoped3A = tpu.sem_alloc : memref<!tpu.dma_semaphore, #tpu.memory_space<semaphore_mem>>
        %dma_start3A = arith.constant 9360 : i32
        %dma_start3A_23 = arith.constant 0 : i32
        %dma_start3A_24 = tpu.memref_slice %arg10[%dma_start3A, %dma_start3A_23] : memref<10016x128xf32, #tpu.memory_space<vmem_shared>> -> memref<656x128xf32, #tpu.memory_space<vmem_shared>>
        %dma_start3A_25 = arith.constant 0 : i32
        %dma_start3A_26 = arith.constant 0 : i32
        %dma_start3A_27 = tpu.memref_slice %arg5[%dma_start3A_25, %dma_start3A_26] : memref<656x128xf32, #tpu.memory_space<hbm>> -> memref<656x128xf32, #tpu.memory_space<hbm>>
        tpu.enqueue_dma source(%dma_start3A_27 : memref<656x128xf32, #tpu.memory_space<hbm>>) target(%dma_start3A_24 : memref<656x128xf32, #tpu.memory_space<vmem_shared>>) target_semaphore(%run_scoped3A : memref<!tpu.dma_semaphore, #tpu.memory_space<semaphore_mem>>)
        %dma_wait3A = arith.constant 9360 : i32
        %dma_wait3A_28 = arith.constant 0 : i32
        %dma_wait3A_29 = tpu.memref_slice %arg10[%dma_wait3A, %dma_wait3A_28] : memref<10016x128xf32, #tpu.memory_space<vmem_shared>> -> memref<656x128xf32, #tpu.memory_space<vmem_shared>>
        %dma_wait3A_30 = arith.constant 0 : i32
        %dma_wait3A_31 = arith.constant 0 : i32
        %dma_wait3A_32 = tpu.memref_slice %arg5[%dma_wait3A_30, %dma_wait3A_31] : memref<656x128xf32, #tpu.memory_space<hbm>> -> memref<656x128xf32, #tpu.memory_space<hbm>>
        tpu.wait_dma2 semaphore(%run_scoped3A : memref<!tpu.dma_semaphore, #tpu.memory_space<semaphore_mem>>) src(%dma_wait3A_32 : memref<656x128xf32, #tpu.memory_space<hbm>>) dst(%dma_wait3A_29 : memref<656x128xf32, #tpu.memory_space<vmem_shared>>)
        tpu.yield
      }) : () -> ()
    } else {
    }
    %barrier3A = arith.constant 0 : index
    tpu.barrier barrier_id(%barrier3A)
    %scan3A = arith.constant 0 : i32
    %scan3A_7 = arith.constant 0 : i32
    %scan3A_8 = arith.constant 79 : i32
    %scan3A_9 = arith.addi %scan3A_7, %scan3A_8 : i32
    %scan3A_10 = arith.constant 1 : i32
    scf.for %scan3A_23 = %scan3A_7 to %scan3A_9 step %scan3A_10  : i32 {
      "tpu.region"() ({
        %run_scoped3A = tpu.sem_alloc : memref<!tpu.dma_semaphore, #tpu.memory_space<semaphore_mem>>
        %dma_start3A = arith.constant 0 : i32
        %dma_start3A_24 = tpu.memref_slice %arg8[%scan3A_23, %dma_start3A] : memref<79x128xi32, #tpu.memory_space<vmem>> -> memref<1x128xi32, #tpu.memory_space<vmem>>
        %dma_start3A_25 = tpu.memref_squeeze %dma_start3A_24 : memref<1x128xi32, #tpu.memory_space<vmem>> -> memref<128xi32, #tpu.memory_space<vmem>>
        %dma_start3A_26 = arith.constant 0 : i32
        %dma_start3A_27 = arith.constant 0 : i32
        %dma_start3A_28 = tpu.memref_slice %arg10[%dma_start3A_26, %dma_start3A_27] : memref<10016x128xf32, #tpu.memory_space<vmem_shared>> -> memref<10016x128xf32, #tpu.memory_space<vmem_shared>>
        tpu.enqueue_indirect_dma source(%arg9 : memref<128x128xf32, #tpu.memory_space<vmem>>) target(%dma_start3A_28 : memref<10016x128xf32, #tpu.memory_space<vmem_shared>>) offsets(%dma_start3A_25 : memref<128xi32, #tpu.memory_space<vmem>>) semaphore(%run_scoped3A : memref<!tpu.dma_semaphore, #tpu.memory_space<semaphore_mem>>) {add = true}
        %dma_wait3A = arith.constant 0 : i32
        %dma_wait3A_29 = tpu.memref_slice %arg8[%scan3A_23, %dma_wait3A] : memref<79x128xi32, #tpu.memory_space<vmem>> -> memref<1x128xi32, #tpu.memory_space<vmem>>
        %dma_wait3A_30 = tpu.memref_squeeze %dma_wait3A_29 : memref<1x128xi32, #tpu.memory_space<vmem>> -> memref<128xi32, #tpu.memory_space<vmem>>
        %dma_wait3A_31 = arith.constant 0 : i32
        %dma_wait3A_32 = arith.constant 0 : i32
        %dma_wait3A_33 = tpu.memref_slice %arg10[%dma_wait3A_31, %dma_wait3A_32] : memref<10016x128xf32, #tpu.memory_space<vmem_shared>> -> memref<10016x128xf32, #tpu.memory_space<vmem_shared>>
        tpu.wait_indirect_dma semaphore(%run_scoped3A : memref<!tpu.dma_semaphore, #tpu.memory_space<semaphore_mem>>) src(%arg9 : memref<128x128xf32, #tpu.memory_space<vmem>>) dst(%dma_wait3A_33 : memref<10016x128xf32, #tpu.memory_space<vmem_shared>>)
        tpu.yield
      }) : () -> ()
    }
    %scan3A_11 = arith.constant 79 : i32
    %barrier3A_12 = arith.constant 0 : index
    tpu.barrier barrier_id(%barrier3A_12)
    %lt3A_13 = arith.constant 15 : i32
    %lt3A_14 = arith.cmpi slt, %arg1, %lt3A_13 : i32
    %convert_element_type3A_15 = arith.extui %lt3A_14 : i1 to i32
    %cond3A_16 = arith.constant 0 : i32
    %cond3A_17 = arith.cmpi ne, %convert_element_type3A_15, %cond3A_16 : i32
    scf.if %cond3A_17 {
      %mul3A_23 = arith.constant 624 : i32
      %mul3A_24 = arith.muli %arg1, %mul3A_23 : i32
      %mul3A_25 = arith.constant 624 : i32
      %mul3A_26 = arith.muli %arg1, %mul3A_25 : i32
      "tpu.region"() ({
        %run_scoped3A = tpu.sem_alloc : memref<!tpu.dma_semaphore, #tpu.memory_space<semaphore_mem>>
        %dma_start3A = arith.constant 0 : i32
        %dma_start3A_27 = tpu.memref_slice %arg6[%arg0, %mul3A_26, %dma_start3A] : memref<2x10016x128xf32, #tpu.memory_space<hbm>> -> memref<1x624x128xf32, #tpu.memory_space<hbm>>
        %dma_start3A_28 = tpu.memref_squeeze %dma_start3A_27 : memref<1x624x128xf32, #tpu.memory_space<hbm>> -> memref<624x128xf32, #tpu.memory_space<hbm>>
        %dma_start3A_29 = arith.constant 0 : i32
        %dma_start3A_30 = tpu.memref_slice %arg10[%mul3A_24, %dma_start3A_29] : memref<10016x128xf32, #tpu.memory_space<vmem_shared>> -> memref<624x128xf32, #tpu.memory_space<vmem_shared>>
        tpu.enqueue_dma source(%dma_start3A_30 : memref<624x128xf32, #tpu.memory_space<vmem_shared>>) target(%dma_start3A_28 : memref<624x128xf32, #tpu.memory_space<hbm>>) target_semaphore(%run_scoped3A : memref<!tpu.dma_semaphore, #tpu.memory_space<semaphore_mem>>)
        %dma_wait3A = arith.constant 0 : i32
        %dma_wait3A_31 = tpu.memref_slice %arg6[%arg0, %mul3A_26, %dma_wait3A] : memref<2x10016x128xf32, #tpu.memory_space<hbm>> -> memref<1x624x128xf32, #tpu.memory_space<hbm>>
        %dma_wait3A_32 = tpu.memref_squeeze %dma_wait3A_31 : memref<1x624x128xf32, #tpu.memory_space<hbm>> -> memref<624x128xf32, #tpu.memory_space<hbm>>
        %dma_wait3A_33 = arith.constant 0 : i32
        %dma_wait3A_34 = tpu.memref_slice %arg10[%mul3A_24, %dma_wait3A_33] : memref<10016x128xf32, #tpu.memory_space<vmem_shared>> -> memref<624x128xf32, #tpu.memory_space<vmem_shared>>
        tpu.wait_dma2 semaphore(%run_scoped3A : memref<!tpu.dma_semaphore, #tpu.memory_space<semaphore_mem>>) src(%dma_wait3A_34 : memref<624x128xf32, #tpu.memory_space<vmem_shared>>) dst(%dma_wait3A_32 : memref<624x128xf32, #tpu.memory_space<hbm>>)
        tpu.yield
      }) : () -> ()
    } else {
    }
    %eq3A_18 = arith.constant 15 : i32
    %eq3A_19 = arith.cmpi eq, %arg1, %eq3A_18 : i32
    %convert_element_type3A_20 = arith.extui %eq3A_19 : i1 to i32
    %cond3A_21 = arith.constant 0 : i32
    %cond3A_22 = arith.cmpi ne, %convert_element_type3A_20, %cond3A_21 : i32
    scf.if %cond3A_22 {
      "tpu.region"() ({
        %run_scoped3A = tpu.sem_alloc : memref<!tpu.dma_semaphore, #tpu.memory_space<semaphore_mem>>
        %dma_start3A = arith.constant 9360 : i32
        %dma_start3A_23 = arith.constant 0 : i32
        %dma_start3A_24 = tpu.memref_slice %arg6[%arg0, %dma_start3A, %dma_start3A_23] : memref<2x10016x128xf32, #tpu.memory_space<hbm>> -> memref<1x656x128xf32, #tpu.memory_space<hbm>>
        %dma_start3A_25 = tpu.memref_squeeze %dma_start3A_24 : memref<1x656x128xf32, #tpu.memory_space<hbm>> -> memref<656x128xf32, #tpu.memory_space<hbm>>
        %dma_start3A_26 = arith.constant 9360 : i32
        %dma_start3A_27 = arith.constant 0 : i32
        %dma_start3A_28 = tpu.memref_slice %arg10[%dma_start3A_26, %dma_start3A_27] : memref<10016x128xf32, #tpu.memory_space<vmem_shared>> -> memref<656x128xf32, #tpu.memory_space<vmem_shared>>
        tpu.enqueue_dma source(%dma_start3A_28 : memref<656x128xf32, #tpu.memory_space<vmem_shared>>) target(%dma_start3A_25 : memref<656x128xf32, #tpu.memory_space<hbm>>) target_semaphore(%run_scoped3A : memref<!tpu.dma_semaphore, #tpu.memory_space<semaphore_mem>>)
        %dma_wait3A = arith.constant 9360 : i32
        %dma_wait3A_29 = arith.constant 0 : i32
        %dma_wait3A_30 = tpu.memref_slice %arg6[%arg0, %dma_wait3A, %dma_wait3A_29] : memref<2x10016x128xf32, #tpu.memory_space<hbm>> -> memref<1x656x128xf32, #tpu.memory_space<hbm>>
        %dma_wait3A_31 = tpu.memref_squeeze %dma_wait3A_30 : memref<1x656x128xf32, #tpu.memory_space<hbm>> -> memref<656x128xf32, #tpu.memory_space<hbm>>
        %dma_wait3A_32 = arith.constant 9360 : i32
        %dma_wait3A_33 = arith.constant 0 : i32
        %dma_wait3A_34 = tpu.memref_slice %arg10[%dma_wait3A_32, %dma_wait3A_33] : memref<10016x128xf32, #tpu.memory_space<vmem_shared>> -> memref<656x128xf32, #tpu.memory_space<vmem_shared>>
        tpu.wait_dma2 semaphore(%run_scoped3A : memref<!tpu.dma_semaphore, #tpu.memory_space<semaphore_mem>>) src(%dma_wait3A_34 : memref<656x128xf32, #tpu.memory_space<vmem_shared>>) dst(%dma_wait3A_31 : memref<656x128xf32, #tpu.memory_space<hbm>>)
        tpu.yield
      }) : () -> ()
    } else {
    }
    return
  }
}

#map = affine_map<(d0, d1) -> (0, 0)>
#map1 = affine_map<(d0, d1) -> (0, 0, 0)>
module attributes {stable_mosaic.version = 14 : i64} {
  func.func @body(%arg0: i32, %arg1: i32, %arg2: memref<10000x128xf32, #tpu.memory_space<hbm>>, %arg3: memref<32x79x128xi32, #tpu.memory_space<hbm>>, %arg4: memref<32x79x128xi32, #tpu.memory_space<hbm>>, %arg5: memref<656x128xf32, #tpu.memory_space<hbm>>, %arg6: memref<2x10016x128xf32, #tpu.memory_space<hbm>>, %arg7: memref<79x128xi32, #tpu.memory_space<vmem>>, %arg8: memref<79x128xi32, #tpu.memory_space<vmem>>, %arg9: memref<128x128xf32, #tpu.memory_space<vmem>>, %arg10: memref<10016x128xf32, #tpu.memory_space<vmem_shared>>, %arg11: memref<!tpu.dma_semaphore, #tpu.memory_space<semaphore_mem>>) attributes {dimension_semantics = [#tpu.dimension_semantics<core_parallel>, #tpu.dimension_semantics<subcore_parallel>], iteration_bounds = array<i64: 2, 16>, scalar_prefetch = 0 : i64, scratch_operands = 5 : i64, tpu.core_type = #tpu.core_type<sc_vector_subcore>, window_params = [{transform_indices = #map}, {transform_indices = #map1}, {transform_indices = #map1}, {transform_indices = #map}, {transform_indices = #map1}]} {
    %mul3A = arith.constant 2 : i32
    %mul3A_0 = arith.muli %arg1, %mul3A : i32
    %add3A = arith.addi %mul3A_0, %arg0 : i32
    "tpu.region"() ({
      %run_scoped3A = tpu.sem_alloc : memref<!tpu.dma_semaphore, #tpu.memory_space<semaphore_mem>>
      %dma_start3A = arith.constant 0 : i32
      %dma_start3A_23 = arith.constant 0 : i32
      %dma_start3A_24 = tpu.memref_slice %arg3[%add3A, %dma_start3A, %dma_start3A_23] : memref<32x79x128xi32, #tpu.memory_space<hbm>> -> memref<1x79x128xi32, #tpu.memory_space<hbm>>
      %dma_start3A_25 = tpu.memref_squeeze %dma_start3A_24 : memref<1x79x128xi32, #tpu.memory_space<hbm>> -> memref<79x128xi32, #tpu.memory_space<hbm>>
      %dma_start3A_26 = arith.constant 0 : i32
      %dma_start3A_27 = arith.constant 0 : i32
      %dma_start3A_28 = tpu.memref_slice %arg3[%add3A, %dma_start3A_26, %dma_start3A_27] : memref<32x79x128xi32, #tpu.memory_space<hbm>> -> memref<1x79x128xi32, #tpu.memory_space<hbm>>
      %dma_start3A_29 = tpu.memref_squeeze %dma_start3A_28 : memref<1x79x128xi32, #tpu.memory_space<hbm>> -> memref<79x128xi32, #tpu.memory_space<hbm>>
      tpu.enqueue_dma source(%dma_start3A_29 : memref<79x128xi32, #tpu.memory_space<hbm>>) target(%arg7 : memref<79x128xi32, #tpu.memory_space<vmem>>) target_semaphore(%run_scoped3A : memref<!tpu.dma_semaphore, #tpu.memory_space<semaphore_mem>>)
      %dma_wait3A = arith.constant 0 : i32
      %dma_wait3A_30 = arith.constant 0 : i32
      %dma_wait3A_31 = tpu.memref_slice %arg3[%add3A, %dma_wait3A, %dma_wait3A_30] : memref<32x79x128xi32, #tpu.memory_space<hbm>> -> memref<1x79x128xi32, #tpu.memory_space<hbm>>
      %dma_wait3A_32 = tpu.memref_squeeze %dma_wait3A_31 : memref<1x79x128xi32, #tpu.memory_space<hbm>> -> memref<79x128xi32, #tpu.memory_space<hbm>>
      %dma_wait3A_33 = arith.constant 0 : i32
      %dma_wait3A_34 = arith.constant 0 : i32
      %dma_wait3A_35 = tpu.memref_slice %arg3[%add3A, %dma_wait3A_33, %dma_wait3A_34] : memref<32x79x128xi32, #tpu.memory_space<hbm>> -> memref<1x79x128xi32, #tpu.memory_space<hbm>>
      %dma_wait3A_36 = tpu.memref_squeeze %dma_wait3A_35 : memref<1x79x128xi32, #tpu.memory_space<hbm>> -> memref<79x128xi32, #tpu.memory_space<hbm>>
      tpu.wait_dma2 semaphore(%run_scoped3A : memref<!tpu.dma_semaphore, #tpu.memory_space<semaphore_mem>>) src(%dma_wait3A_36 : memref<79x128xi32, #tpu.memory_space<hbm>>) dst(%arg7 : memref<79x128xi32, #tpu.memory_space<vmem>>)
      tpu.yield
    }) : () -> ()
    "tpu.region"() ({
      %run_scoped3A = tpu.sem_alloc : memref<!tpu.dma_semaphore, #tpu.memory_space<semaphore_mem>>
      %dma_start3A = arith.constant 0 : i32
      %dma_start3A_23 = arith.constant 0 : i32
      %dma_start3A_24 = tpu.memref_slice %arg4[%add3A, %dma_start3A, %dma_start3A_23] : memref<32x79x128xi32, #tpu.memory_space<hbm>> -> memref<1x79x128xi32, #tpu.memory_space<hbm>>
      %dma_start3A_25 = tpu.memref_squeeze %dma_start3A_24 : memref<1x79x128xi32, #tpu.memory_space<hbm>> -> memref<79x128xi32, #tpu.memory_space<hbm>>
      %dma_start3A_26 = arith.constant 0 : i32
      %dma_start3A_27 = arith.constant 0 : i32
      %dma_start3A_28 = tpu.memref_slice %arg4[%add3A, %dma_start3A_26, %dma_start3A_27] : memref<32x79x128xi32, #tpu.memory_space<hbm>> -> memref<1x79x128xi32, #tpu.memory_space<hbm>>
      %dma_start3A_29 = tpu.memref_squeeze %dma_start3A_28 : memref<1x79x128xi32, #tpu.memory_space<hbm>> -> memref<79x128xi32, #tpu.memory_space<hbm>>
      tpu.enqueue_dma source(%dma_start3A_29 : memref<79x128xi32, #tpu.memory_space<hbm>>) target(%arg8 : memref<79x128xi32, #tpu.memory_space<vmem>>) target_semaphore(%run_scoped3A : memref<!tpu.dma_semaphore, #tpu.memory_space<semaphore_mem>>)
      %dma_wait3A = arith.constant 0 : i32
      %dma_wait3A_30 = arith.constant 0 : i32
      %dma_wait3A_31 = tpu.memref_slice %arg4[%add3A, %dma_wait3A, %dma_wait3A_30] : memref<32x79x128xi32, #tpu.memory_space<hbm>> -> memref<1x79x128xi32, #tpu.memory_space<hbm>>
      %dma_wait3A_32 = tpu.memref_squeeze %dma_wait3A_31 : memref<1x79x128xi32, #tpu.memory_space<hbm>> -> memref<79x128xi32, #tpu.memory_space<hbm>>
      %dma_wait3A_33 = arith.constant 0 : i32
      %dma_wait3A_34 = arith.constant 0 : i32
      %dma_wait3A_35 = tpu.memref_slice %arg4[%add3A, %dma_wait3A_33, %dma_wait3A_34] : memref<32x79x128xi32, #tpu.memory_space<hbm>> -> memref<1x79x128xi32, #tpu.memory_space<hbm>>
      %dma_wait3A_36 = tpu.memref_squeeze %dma_wait3A_35 : memref<1x79x128xi32, #tpu.memory_space<hbm>> -> memref<79x128xi32, #tpu.memory_space<hbm>>
      tpu.wait_dma2 semaphore(%run_scoped3A : memref<!tpu.dma_semaphore, #tpu.memory_space<semaphore_mem>>) src(%dma_wait3A_36 : memref<79x128xi32, #tpu.memory_space<hbm>>) dst(%arg8 : memref<79x128xi32, #tpu.memory_space<vmem>>)
      tpu.yield
    }) : () -> ()
    %lt3A = arith.constant 15 : i32
    %lt3A_1 = arith.cmpi slt, %arg1, %lt3A : i32
    %convert_element_type3A = arith.extui %lt3A_1 : i1 to i32
    %cond3A = arith.constant 0 : i32
    %cond3A_2 = arith.cmpi ne, %convert_element_type3A, %cond3A : i32
    scf.if %cond3A_2 {
      %mul3A_23 = arith.constant 624 : i32
      %mul3A_24 = arith.muli %arg1, %mul3A_23 : i32
      %mul3A_25 = arith.constant 624 : i32
      %mul3A_26 = arith.muli %arg1, %mul3A_25 : i32
      "tpu.region"() ({
        %run_scoped3A = tpu.sem_alloc : memref<!tpu.dma_semaphore, #tpu.memory_space<semaphore_mem>>
        %dma_start3A = arith.constant 0 : i32
        %dma_start3A_27 = tpu.memref_slice %arg10[%mul3A_26, %dma_start3A] : memref<10016x128xf32, #tpu.memory_space<vmem_shared>> -> memref<624x128xf32, #tpu.memory_space<vmem_shared>>
        %dma_start3A_28 = arith.constant 0 : i32
        %dma_start3A_29 = arith.constant 0 : i32
        %dma_start3A_30 = tpu.memref_slice %arg5[%dma_start3A_28, %dma_start3A_29] : memref<656x128xf32, #tpu.memory_space<hbm>> -> memref<624x128xf32, #tpu.memory_space<hbm>>
        tpu.enqueue_dma source(%dma_start3A_30 : memref<624x128xf32, #tpu.memory_space<hbm>>) target(%dma_start3A_27 : memref<624x128xf32, #tpu.memory_space<vmem_shared>>) target_semaphore(%run_scoped3A : memref<!tpu.dma_semaphore, #tpu.memory_space<semaphore_mem>>)
        %dma_wait3A = arith.constant 0 : i32
        %dma_wait3A_31 = tpu.memref_slice %arg10[%mul3A_26, %dma_wait3A] : memref<10016x128xf32, #tpu.memory_space<vmem_shared>> -> memref<624x128xf32, #tpu.memory_space<vmem_shared>>
        %dma_wait3A_32 = arith.constant 0 : i32
        %dma_wait3A_33 = arith.constant 0 : i32
        %dma_wait3A_34 = tpu.memref_slice %arg5[%dma_wait3A_32, %dma_wait3A_33] : memref<656x128xf32, #tpu.memory_space<hbm>> -> memref<624x128xf32, #tpu.memory_space<hbm>>
        tpu.wait_dma2 semaphore(%run_scoped3A : memref<!tpu.dma_semaphore, #tpu.memory_space<semaphore_mem>>) src(%dma_wait3A_34 : memref<624x128xf32, #tpu.memory_space<hbm>>) dst(%dma_wait3A_31 : memref<624x128xf32, #tpu.memory_space<vmem_shared>>)
        tpu.yield
      }) : () -> ()
    } else {
    }
    %eq3A = arith.constant 15 : i32
    %eq3A_3 = arith.cmpi eq, %arg1, %eq3A : i32
    %convert_element_type3A_4 = arith.extui %eq3A_3 : i1 to i32
    %cond3A_5 = arith.constant 0 : i32
    %cond3A_6 = arith.cmpi ne, %convert_element_type3A_4, %cond3A_5 : i32
    scf.if %cond3A_6 {
      "tpu.region"() ({
        %run_scoped3A = tpu.sem_alloc : memref<!tpu.dma_semaphore, #tpu.memory_space<semaphore_mem>>
        %dma_start3A = arith.constant 9360 : i32
        %dma_start3A_23 = arith.constant 0 : i32
        %dma_start3A_24 = tpu.memref_slice %arg10[%dma_start3A, %dma_start3A_23] : memref<10016x128xf32, #tpu.memory_space<vmem_shared>> -> memref<656x128xf32, #tpu.memory_space<vmem_shared>>
        %dma_start3A_25 = arith.constant 0 : i32
        %dma_start3A_26 = arith.constant 0 : i32
        %dma_start3A_27 = tpu.memref_slice %arg5[%dma_start3A_25, %dma_start3A_26] : memref<656x128xf32, #tpu.memory_space<hbm>> -> memref<656x128xf32, #tpu.memory_space<hbm>>
        tpu.enqueue_dma source(%dma_start3A_27 : memref<656x128xf32, #tpu.memory_space<hbm>>) target(%dma_start3A_24 : memref<656x128xf32, #tpu.memory_space<vmem_shared>>) target_semaphore(%run_scoped3A : memref<!tpu.dma_semaphore, #tpu.memory_space<semaphore_mem>>)
        %dma_wait3A = arith.constant 9360 : i32
        %dma_wait3A_28 = arith.constant 0 : i32
        %dma_wait3A_29 = tpu.memref_slice %arg10[%dma_wait3A, %dma_wait3A_28] : memref<10016x128xf32, #tpu.memory_space<vmem_shared>> -> memref<656x128xf32, #tpu.memory_space<vmem_shared>>
        %dma_wait3A_30 = arith.constant 0 : i32
        %dma_wait3A_31 = arith.constant 0 : i32
        %dma_wait3A_32 = tpu.memref_slice %arg5[%dma_wait3A_30, %dma_wait3A_31] : memref<656x128xf32, #tpu.memory_space<hbm>> -> memref<656x128xf32, #tpu.memory_space<hbm>>
        tpu.wait_dma2 semaphore(%run_scoped3A : memref<!tpu.dma_semaphore, #tpu.memory_space<semaphore_mem>>) src(%dma_wait3A_32 : memref<656x128xf32, #tpu.memory_space<hbm>>) dst(%dma_wait3A_29 : memref<656x128xf32, #tpu.memory_space<vmem_shared>>)
        tpu.yield
      }) : () -> ()
    } else {
    }
    %barrier3A = arith.constant 0 : index
    tpu.barrier barrier_id(%barrier3A)
    %scan3A = arith.constant 0 : i32
    %scan3A_7 = arith.constant 0 : i32
    %scan3A_8 = arith.constant 79 : i32
    %scan3A_9 = arith.addi %scan3A_7, %scan3A_8 : i32
    %scan3A_10 = arith.constant 1 : i32
    scf.for %scan3A_23 = %scan3A_7 to %scan3A_9 step %scan3A_10  : i32 {
      %dma_start3A = arith.constant 0 : i32
      %dma_start3A_24 = tpu.memref_slice %arg7[%scan3A_23, %dma_start3A] : memref<79x128xi32, #tpu.memory_space<vmem>> -> memref<1x128xi32, #tpu.memory_space<vmem>>
      %dma_start3A_25 = tpu.memref_squeeze %dma_start3A_24 : memref<1x128xi32, #tpu.memory_space<vmem>> -> memref<128xi32, #tpu.memory_space<vmem>>
      %dma_start3A_26 = arith.constant 0 : i32
      %dma_start3A_27 = arith.constant 0 : i32
      %dma_start3A_28 = tpu.memref_slice %arg2[%dma_start3A_26, %dma_start3A_27] : memref<10000x128xf32, #tpu.memory_space<hbm>> -> memref<10000x128xf32, #tpu.memory_space<hbm>>
      tpu.enqueue_indirect_dma source(%dma_start3A_28 : memref<10000x128xf32, #tpu.memory_space<hbm>>) target(%arg9 : memref<128x128xf32, #tpu.memory_space<vmem>>) offsets(%dma_start3A_25 : memref<128xi32, #tpu.memory_space<vmem>>) semaphore(%arg11 : memref<!tpu.dma_semaphore, #tpu.memory_space<semaphore_mem>>)
      %dma_wait3A = arith.constant 0 : i32
      %dma_wait3A_29 = tpu.memref_slice %arg7[%scan3A_23, %dma_wait3A] : memref<79x128xi32, #tpu.memory_space<vmem>> -> memref<1x128xi32, #tpu.memory_space<vmem>>
      %dma_wait3A_30 = tpu.memref_squeeze %dma_wait3A_29 : memref<1x128xi32, #tpu.memory_space<vmem>> -> memref<128xi32, #tpu.memory_space<vmem>>
      %dma_wait3A_31 = arith.constant 0 : i32
      %dma_wait3A_32 = arith.constant 0 : i32
      %dma_wait3A_33 = tpu.memref_slice %arg2[%dma_wait3A_31, %dma_wait3A_32] : memref<10000x128xf32, #tpu.memory_space<hbm>> -> memref<10000x128xf32, #tpu.memory_space<hbm>>
      tpu.wait_indirect_dma semaphore(%arg11 : memref<!tpu.dma_semaphore, #tpu.memory_space<semaphore_mem>>) src(%dma_wait3A_33 : memref<10000x128xf32, #tpu.memory_space<hbm>>) dst(%arg9 : memref<128x128xf32, #tpu.memory_space<vmem>>)
      "tpu.region"() ({
        %run_scoped3A = tpu.sem_alloc : memref<!tpu.dma_semaphore, #tpu.memory_space<semaphore_mem>>
        %dma_start3A_34 = arith.constant 0 : i32
        %dma_start3A_35 = tpu.memref_slice %arg8[%scan3A_23, %dma_start3A_34] : memref<79x128xi32, #tpu.memory_space<vmem>> -> memref<1x128xi32, #tpu.memory_space<vmem>>
        %dma_start3A_36 = tpu.memref_squeeze %dma_start3A_35 : memref<1x128xi32, #tpu.memory_space<vmem>> -> memref<128xi32, #tpu.memory_space<vmem>>
        %dma_start3A_37 = arith.constant 0 : i32
        %dma_start3A_38 = arith.constant 0 : i32
        %dma_start3A_39 = tpu.memref_slice %arg10[%dma_start3A_37, %dma_start3A_38] : memref<10016x128xf32, #tpu.memory_space<vmem_shared>> -> memref<10016x128xf32, #tpu.memory_space<vmem_shared>>
        tpu.enqueue_indirect_dma source(%arg9 : memref<128x128xf32, #tpu.memory_space<vmem>>) target(%dma_start3A_39 : memref<10016x128xf32, #tpu.memory_space<vmem_shared>>) offsets(%dma_start3A_36 : memref<128xi32, #tpu.memory_space<vmem>>) semaphore(%run_scoped3A : memref<!tpu.dma_semaphore, #tpu.memory_space<semaphore_mem>>) {add = true}
        %dma_wait3A_40 = arith.constant 0 : i32
        %dma_wait3A_41 = tpu.memref_slice %arg8[%scan3A_23, %dma_wait3A_40] : memref<79x128xi32, #tpu.memory_space<vmem>> -> memref<1x128xi32, #tpu.memory_space<vmem>>
        %dma_wait3A_42 = tpu.memref_squeeze %dma_wait3A_41 : memref<1x128xi32, #tpu.memory_space<vmem>> -> memref<128xi32, #tpu.memory_space<vmem>>
        %dma_wait3A_43 = arith.constant 0 : i32
        %dma_wait3A_44 = arith.constant 0 : i32
        %dma_wait3A_45 = tpu.memref_slice %arg10[%dma_wait3A_43, %dma_wait3A_44] : memref<10016x128xf32, #tpu.memory_space<vmem_shared>> -> memref<10016x128xf32, #tpu.memory_space<vmem_shared>>
        tpu.wait_indirect_dma semaphore(%run_scoped3A : memref<!tpu.dma_semaphore, #tpu.memory_space<semaphore_mem>>) src(%arg9 : memref<128x128xf32, #tpu.memory_space<vmem>>) dst(%dma_wait3A_45 : memref<10016x128xf32, #tpu.memory_space<vmem_shared>>)
        tpu.yield
      }) : () -> ()
    }
    %scan3A_11 = arith.constant 79 : i32
    %barrier3A_12 = arith.constant 0 : index
    tpu.barrier barrier_id(%barrier3A_12)
    %lt3A_13 = arith.constant 15 : i32
    %lt3A_14 = arith.cmpi slt, %arg1, %lt3A_13 : i32
    %convert_element_type3A_15 = arith.extui %lt3A_14 : i1 to i32
    %cond3A_16 = arith.constant 0 : i32
    %cond3A_17 = arith.cmpi ne, %convert_element_type3A_15, %cond3A_16 : i32
    scf.if %cond3A_17 {
      %mul3A_23 = arith.constant 624 : i32
      %mul3A_24 = arith.muli %arg1, %mul3A_23 : i32
      %mul3A_25 = arith.constant 624 : i32
      %mul3A_26 = arith.muli %arg1, %mul3A_25 : i32
      "tpu.region"() ({
        %run_scoped3A = tpu.sem_alloc : memref<!tpu.dma_semaphore, #tpu.memory_space<semaphore_mem>>
        %dma_start3A = arith.constant 0 : i32
        %dma_start3A_27 = tpu.memref_slice %arg6[%arg0, %mul3A_26, %dma_start3A] : memref<2x10016x128xf32, #tpu.memory_space<hbm>> -> memref<1x624x128xf32, #tpu.memory_space<hbm>>
        %dma_start3A_28 = tpu.memref_squeeze %dma_start3A_27 : memref<1x624x128xf32, #tpu.memory_space<hbm>> -> memref<624x128xf32, #tpu.memory_space<hbm>>
        %dma_start3A_29 = arith.constant 0 : i32
        %dma_start3A_30 = tpu.memref_slice %arg10[%mul3A_24, %dma_start3A_29] : memref<10016x128xf32, #tpu.memory_space<vmem_shared>> -> memref<624x128xf32, #tpu.memory_space<vmem_shared>>
        tpu.enqueue_dma source(%dma_start3A_30 : memref<624x128xf32, #tpu.memory_space<vmem_shared>>) target(%dma_start3A_28 : memref<624x128xf32, #tpu.memory_space<hbm>>) target_semaphore(%run_scoped3A : memref<!tpu.dma_semaphore, #tpu.memory_space<semaphore_mem>>)
        %dma_wait3A = arith.constant 0 : i32
        %dma_wait3A_31 = tpu.memref_slice %arg6[%arg0, %mul3A_26, %dma_wait3A] : memref<2x10016x128xf32, #tpu.memory_space<hbm>> -> memref<1x624x128xf32, #tpu.memory_space<hbm>>
        %dma_wait3A_32 = tpu.memref_squeeze %dma_wait3A_31 : memref<1x624x128xf32, #tpu.memory_space<hbm>> -> memref<624x128xf32, #tpu.memory_space<hbm>>
        %dma_wait3A_33 = arith.constant 0 : i32
        %dma_wait3A_34 = tpu.memref_slice %arg10[%mul3A_24, %dma_wait3A_33] : memref<10016x128xf32, #tpu.memory_space<vmem_shared>> -> memref<624x128xf32, #tpu.memory_space<vmem_shared>>
        tpu.wait_dma2 semaphore(%run_scoped3A : memref<!tpu.dma_semaphore, #tpu.memory_space<semaphore_mem>>) src(%dma_wait3A_34 : memref<624x128xf32, #tpu.memory_space<vmem_shared>>) dst(%dma_wait3A_32 : memref<624x128xf32, #tpu.memory_space<hbm>>)
        tpu.yield
      }) : () -> ()
    } else {
    }
    %eq3A_18 = arith.constant 15 : i32
    %eq3A_19 = arith.cmpi eq, %arg1, %eq3A_18 : i32
    %convert_element_type3A_20 = arith.extui %eq3A_19 : i1 to i32
    %cond3A_21 = arith.constant 0 : i32
    %cond3A_22 = arith.cmpi ne, %convert_element_type3A_20, %cond3A_21 : i32
    scf.if %cond3A_22 {
      "tpu.region"() ({
        %run_scoped3A = tpu.sem_alloc : memref<!tpu.dma_semaphore, #tpu.memory_space<semaphore_mem>>
        %dma_start3A = arith.constant 9360 : i32
        %dma_start3A_23 = arith.constant 0 : i32
        %dma_start3A_24 = tpu.memref_slice %arg6[%arg0, %dma_start3A, %dma_start3A_23] : memref<2x10016x128xf32, #tpu.memory_space<hbm>> -> memref<1x656x128xf32, #tpu.memory_space<hbm>>
        %dma_start3A_25 = tpu.memref_squeeze %dma_start3A_24 : memref<1x656x128xf32, #tpu.memory_space<hbm>> -> memref<656x128xf32, #tpu.memory_space<hbm>>
        %dma_start3A_26 = arith.constant 9360 : i32
        %dma_start3A_27 = arith.constant 0 : i32
        %dma_start3A_28 = tpu.memref_slice %arg10[%dma_start3A_26, %dma_start3A_27] : memref<10016x128xf32, #tpu.memory_space<vmem_shared>> -> memref<656x128xf32, #tpu.memory_space<vmem_shared>>
        tpu.enqueue_dma source(%dma_start3A_28 : memref<656x128xf32, #tpu.memory_space<vmem_shared>>) target(%dma_start3A_25 : memref<656x128xf32, #tpu.memory_space<hbm>>) target_semaphore(%run_scoped3A : memref<!tpu.dma_semaphore, #tpu.memory_space<semaphore_mem>>)
        %dma_wait3A = arith.constant 9360 : i32
        %dma_wait3A_29 = arith.constant 0 : i32
        %dma_wait3A_30 = tpu.memref_slice %arg6[%arg0, %dma_wait3A, %dma_wait3A_29] : memref<2x10016x128xf32, #tpu.memory_space<hbm>> -> memref<1x656x128xf32, #tpu.memory_space<hbm>>
        %dma_wait3A_31 = tpu.memref_squeeze %dma_wait3A_30 : memref<1x656x128xf32, #tpu.memory_space<hbm>> -> memref<656x128xf32, #tpu.memory_space<hbm>>
        %dma_wait3A_32 = arith.constant 9360 : i32
        %dma_wait3A_33 = arith.constant 0 : i32
        %dma_wait3A_34 = tpu.memref_slice %arg10[%dma_wait3A_32, %dma_wait3A_33] : memref<10016x128xf32, #tpu.memory_space<vmem_shared>> -> memref<656x128xf32, #tpu.memory_space<vmem_shared>>
        tpu.wait_dma2 semaphore(%run_scoped3A : memref<!tpu.dma_semaphore, #tpu.memory_space<semaphore_mem>>) src(%dma_wait3A_34 : memref<656x128xf32, #tpu.memory_space<vmem_shared>>) dst(%dma_wait3A_31 : memref<656x128xf32, #tpu.memory_space<hbm>>)
        tpu.yield
      }) : () -> ()
    } else {
    }
    return
  }
}

#map = affine_map<(d0, d1) -> (0, 0)>
#map1 = affine_map<(d0, d1) -> (0, 0, 0)>
module attributes {stable_mosaic.version = 14 : i64} {
  func.func @body(%arg0: i32, %arg1: i32, %arg2: memref<10000x128xf32, #tpu.memory_space<hbm>>, %arg3: memref<32x79x128xi32, #tpu.memory_space<hbm>>, %arg4: memref<32x79x128xi32, #tpu.memory_space<hbm>>, %arg5: memref<656x128xf32, #tpu.memory_space<hbm>>, %arg6: memref<2x10016x128xf32, #tpu.memory_space<hbm>>, %arg7: memref<79x128xi32, #tpu.memory_space<vmem>>, %arg8: memref<79x128xi32, #tpu.memory_space<vmem>>, %arg9: memref<128x128xf32, #tpu.memory_space<vmem>>, %arg10: memref<10016x128xf32, #tpu.memory_space<vmem_shared>>, %arg11: memref<!tpu.dma_semaphore, #tpu.memory_space<semaphore_mem>>) attributes {dimension_semantics = [#tpu.dimension_semantics<core_parallel>, #tpu.dimension_semantics<subcore_parallel>], iteration_bounds = array<i64: 2, 16>, scalar_prefetch = 0 : i64, scratch_operands = 5 : i64, tpu.core_type = #tpu.core_type<sc_vector_subcore>, window_params = [{transform_indices = #map}, {transform_indices = #map1}, {transform_indices = #map1}, {transform_indices = #map}, {transform_indices = #map1}]} {
    %mul3A = arith.constant 2 : i32
    %mul3A_0 = arith.muli %arg1, %mul3A : i32
    %add3A = arith.addi %mul3A_0, %arg0 : i32
    "tpu.region"() ({
      %run_scoped3A = tpu.sem_alloc : memref<!tpu.dma_semaphore, #tpu.memory_space<semaphore_mem>>
      %dma_start3A = arith.constant 0 : i32
      %dma_start3A_23 = arith.constant 0 : i32
      %dma_start3A_24 = tpu.memref_slice %arg3[%add3A, %dma_start3A, %dma_start3A_23] : memref<32x79x128xi32, #tpu.memory_space<hbm>> -> memref<1x79x128xi32, #tpu.memory_space<hbm>>
      %dma_start3A_25 = tpu.memref_squeeze %dma_start3A_24 : memref<1x79x128xi32, #tpu.memory_space<hbm>> -> memref<79x128xi32, #tpu.memory_space<hbm>>
      %dma_start3A_26 = arith.constant 0 : i32
      %dma_start3A_27 = arith.constant 0 : i32
      %dma_start3A_28 = tpu.memref_slice %arg3[%add3A, %dma_start3A_26, %dma_start3A_27] : memref<32x79x128xi32, #tpu.memory_space<hbm>> -> memref<1x79x128xi32, #tpu.memory_space<hbm>>
      %dma_start3A_29 = tpu.memref_squeeze %dma_start3A_28 : memref<1x79x128xi32, #tpu.memory_space<hbm>> -> memref<79x128xi32, #tpu.memory_space<hbm>>
      tpu.enqueue_dma source(%dma_start3A_29 : memref<79x128xi32, #tpu.memory_space<hbm>>) target(%arg7 : memref<79x128xi32, #tpu.memory_space<vmem>>) target_semaphore(%run_scoped3A : memref<!tpu.dma_semaphore, #tpu.memory_space<semaphore_mem>>)
      %dma_wait3A = arith.constant 0 : i32
      %dma_wait3A_30 = arith.constant 0 : i32
      %dma_wait3A_31 = tpu.memref_slice %arg3[%add3A, %dma_wait3A, %dma_wait3A_30] : memref<32x79x128xi32, #tpu.memory_space<hbm>> -> memref<1x79x128xi32, #tpu.memory_space<hbm>>
      %dma_wait3A_32 = tpu.memref_squeeze %dma_wait3A_31 : memref<1x79x128xi32, #tpu.memory_space<hbm>> -> memref<79x128xi32, #tpu.memory_space<hbm>>
      %dma_wait3A_33 = arith.constant 0 : i32
      %dma_wait3A_34 = arith.constant 0 : i32
      %dma_wait3A_35 = tpu.memref_slice %arg3[%add3A, %dma_wait3A_33, %dma_wait3A_34] : memref<32x79x128xi32, #tpu.memory_space<hbm>> -> memref<1x79x128xi32, #tpu.memory_space<hbm>>
      %dma_wait3A_36 = tpu.memref_squeeze %dma_wait3A_35 : memref<1x79x128xi32, #tpu.memory_space<hbm>> -> memref<79x128xi32, #tpu.memory_space<hbm>>
      tpu.wait_dma2 semaphore(%run_scoped3A : memref<!tpu.dma_semaphore, #tpu.memory_space<semaphore_mem>>) src(%dma_wait3A_36 : memref<79x128xi32, #tpu.memory_space<hbm>>) dst(%arg7 : memref<79x128xi32, #tpu.memory_space<vmem>>)
      tpu.yield
    }) : () -> ()
    "tpu.region"() ({
      %run_scoped3A = tpu.sem_alloc : memref<!tpu.dma_semaphore, #tpu.memory_space<semaphore_mem>>
      %dma_start3A = arith.constant 0 : i32
      %dma_start3A_23 = arith.constant 0 : i32
      %dma_start3A_24 = tpu.memref_slice %arg4[%add3A, %dma_start3A, %dma_start3A_23] : memref<32x79x128xi32, #tpu.memory_space<hbm>> -> memref<1x79x128xi32, #tpu.memory_space<hbm>>
      %dma_start3A_25 = tpu.memref_squeeze %dma_start3A_24 : memref<1x79x128xi32, #tpu.memory_space<hbm>> -> memref<79x128xi32, #tpu.memory_space<hbm>>
      %dma_start3A_26 = arith.constant 0 : i32
      %dma_start3A_27 = arith.constant 0 : i32
      %dma_start3A_28 = tpu.memref_slice %arg4[%add3A, %dma_start3A_26, %dma_start3A_27] : memref<32x79x128xi32, #tpu.memory_space<hbm>> -> memref<1x79x128xi32, #tpu.memory_space<hbm>>
      %dma_start3A_29 = tpu.memref_squeeze %dma_start3A_28 : memref<1x79x128xi32, #tpu.memory_space<hbm>> -> memref<79x128xi32, #tpu.memory_space<hbm>>
      tpu.enqueue_dma source(%dma_start3A_29 : memref<79x128xi32, #tpu.memory_space<hbm>>) target(%arg8 : memref<79x128xi32, #tpu.memory_space<vmem>>) target_semaphore(%run_scoped3A : memref<!tpu.dma_semaphore, #tpu.memory_space<semaphore_mem>>)
      %dma_wait3A = arith.constant 0 : i32
      %dma_wait3A_30 = arith.constant 0 : i32
      %dma_wait3A_31 = tpu.memref_slice %arg4[%add3A, %dma_wait3A, %dma_wait3A_30] : memref<32x79x128xi32, #tpu.memory_space<hbm>> -> memref<1x79x128xi32, #tpu.memory_space<hbm>>
      %dma_wait3A_32 = tpu.memref_squeeze %dma_wait3A_31 : memref<1x79x128xi32, #tpu.memory_space<hbm>> -> memref<79x128xi32, #tpu.memory_space<hbm>>
      %dma_wait3A_33 = arith.constant 0 : i32
      %dma_wait3A_34 = arith.constant 0 : i32
      %dma_wait3A_35 = tpu.memref_slice %arg4[%add3A, %dma_wait3A_33, %dma_wait3A_34] : memref<32x79x128xi32, #tpu.memory_space<hbm>> -> memref<1x79x128xi32, #tpu.memory_space<hbm>>
      %dma_wait3A_36 = tpu.memref_squeeze %dma_wait3A_35 : memref<1x79x128xi32, #tpu.memory_space<hbm>> -> memref<79x128xi32, #tpu.memory_space<hbm>>
      tpu.wait_dma2 semaphore(%run_scoped3A : memref<!tpu.dma_semaphore, #tpu.memory_space<semaphore_mem>>) src(%dma_wait3A_36 : memref<79x128xi32, #tpu.memory_space<hbm>>) dst(%arg8 : memref<79x128xi32, #tpu.memory_space<vmem>>)
      tpu.yield
    }) : () -> ()
    %lt3A = arith.constant 15 : i32
    %lt3A_1 = arith.cmpi slt, %arg1, %lt3A : i32
    %convert_element_type3A = arith.extui %lt3A_1 : i1 to i32
    %cond3A = arith.constant 0 : i32
    %cond3A_2 = arith.cmpi ne, %convert_element_type3A, %cond3A : i32
    scf.if %cond3A_2 {
      %mul3A_23 = arith.constant 624 : i32
      %mul3A_24 = arith.muli %arg1, %mul3A_23 : i32
      %mul3A_25 = arith.constant 624 : i32
      %mul3A_26 = arith.muli %arg1, %mul3A_25 : i32
      "tpu.region"() ({
        %run_scoped3A = tpu.sem_alloc : memref<!tpu.dma_semaphore, #tpu.memory_space<semaphore_mem>>
        %dma_start3A = arith.constant 0 : i32
        %dma_start3A_27 = tpu.memref_slice %arg10[%mul3A_26, %dma_start3A] : memref<10016x128xf32, #tpu.memory_space<vmem_shared>> -> memref<624x128xf32, #tpu.memory_space<vmem_shared>>
        %dma_start3A_28 = arith.constant 0 : i32
        %dma_start3A_29 = arith.constant 0 : i32
        %dma_start3A_30 = tpu.memref_slice %arg5[%dma_start3A_28, %dma_start3A_29] : memref<656x128xf32, #tpu.memory_space<hbm>> -> memref<624x128xf32, #tpu.memory_space<hbm>>
        tpu.enqueue_dma source(%dma_start3A_30 : memref<624x128xf32, #tpu.memory_space<hbm>>) target(%dma_start3A_27 : memref<624x128xf32, #tpu.memory_space<vmem_shared>>) target_semaphore(%run_scoped3A : memref<!tpu.dma_semaphore, #tpu.memory_space<semaphore_mem>>)
        %dma_wait3A = arith.constant 0 : i32
        %dma_wait3A_31 = tpu.memref_slice %arg10[%mul3A_26, %dma_wait3A] : memref<10016x128xf32, #tpu.memory_space<vmem_shared>> -> memref<624x128xf32, #tpu.memory_space<vmem_shared>>
        %dma_wait3A_32 = arith.constant 0 : i32
        %dma_wait3A_33 = arith.constant 0 : i32
        %dma_wait3A_34 = tpu.memref_slice %arg5[%dma_wait3A_32, %dma_wait3A_33] : memref<656x128xf32, #tpu.memory_space<hbm>> -> memref<624x128xf32, #tpu.memory_space<hbm>>
        tpu.wait_dma2 semaphore(%run_scoped3A : memref<!tpu.dma_semaphore, #tpu.memory_space<semaphore_mem>>) src(%dma_wait3A_34 : memref<624x128xf32, #tpu.memory_space<hbm>>) dst(%dma_wait3A_31 : memref<624x128xf32, #tpu.memory_space<vmem_shared>>)
        tpu.yield
      }) : () -> ()
    } else {
    }
    %eq3A = arith.constant 15 : i32
    %eq3A_3 = arith.cmpi eq, %arg1, %eq3A : i32
    %convert_element_type3A_4 = arith.extui %eq3A_3 : i1 to i32
    %cond3A_5 = arith.constant 0 : i32
    %cond3A_6 = arith.cmpi ne, %convert_element_type3A_4, %cond3A_5 : i32
    scf.if %cond3A_6 {
      "tpu.region"() ({
        %run_scoped3A = tpu.sem_alloc : memref<!tpu.dma_semaphore, #tpu.memory_space<semaphore_mem>>
        %dma_start3A = arith.constant 9360 : i32
        %dma_start3A_23 = arith.constant 0 : i32
        %dma_start3A_24 = tpu.memref_slice %arg10[%dma_start3A, %dma_start3A_23] : memref<10016x128xf32, #tpu.memory_space<vmem_shared>> -> memref<656x128xf32, #tpu.memory_space<vmem_shared>>
        %dma_start3A_25 = arith.constant 0 : i32
        %dma_start3A_26 = arith.constant 0 : i32
        %dma_start3A_27 = tpu.memref_slice %arg5[%dma_start3A_25, %dma_start3A_26] : memref<656x128xf32, #tpu.memory_space<hbm>> -> memref<656x128xf32, #tpu.memory_space<hbm>>
        tpu.enqueue_dma source(%dma_start3A_27 : memref<656x128xf32, #tpu.memory_space<hbm>>) target(%dma_start3A_24 : memref<656x128xf32, #tpu.memory_space<vmem_shared>>) target_semaphore(%run_scoped3A : memref<!tpu.dma_semaphore, #tpu.memory_space<semaphore_mem>>)
        %dma_wait3A = arith.constant 9360 : i32
        %dma_wait3A_28 = arith.constant 0 : i32
        %dma_wait3A_29 = tpu.memref_slice %arg10[%dma_wait3A, %dma_wait3A_28] : memref<10016x128xf32, #tpu.memory_space<vmem_shared>> -> memref<656x128xf32, #tpu.memory_space<vmem_shared>>
        %dma_wait3A_30 = arith.constant 0 : i32
        %dma_wait3A_31 = arith.constant 0 : i32
        %dma_wait3A_32 = tpu.memref_slice %arg5[%dma_wait3A_30, %dma_wait3A_31] : memref<656x128xf32, #tpu.memory_space<hbm>> -> memref<656x128xf32, #tpu.memory_space<hbm>>
        tpu.wait_dma2 semaphore(%run_scoped3A : memref<!tpu.dma_semaphore, #tpu.memory_space<semaphore_mem>>) src(%dma_wait3A_32 : memref<656x128xf32, #tpu.memory_space<hbm>>) dst(%dma_wait3A_29 : memref<656x128xf32, #tpu.memory_space<vmem_shared>>)
        tpu.yield
      }) : () -> ()
    } else {
    }
    %barrier3A = arith.constant 0 : index
    tpu.barrier barrier_id(%barrier3A)
    %scan3A = arith.constant 0 : i32
    %scan3A_7 = arith.constant 0 : i32
    %scan3A_8 = arith.constant 79 : i32
    %scan3A_9 = arith.addi %scan3A_7, %scan3A_8 : i32
    %scan3A_10 = arith.constant 1 : i32
    scf.for %scan3A_23 = %scan3A_7 to %scan3A_9 step %scan3A_10  : i32 {
      %dma_start3A = arith.constant 0 : i32
      %dma_start3A_24 = tpu.memref_slice %arg7[%scan3A_23, %dma_start3A] : memref<79x128xi32, #tpu.memory_space<vmem>> -> memref<1x128xi32, #tpu.memory_space<vmem>>
      %dma_start3A_25 = tpu.memref_squeeze %dma_start3A_24 : memref<1x128xi32, #tpu.memory_space<vmem>> -> memref<128xi32, #tpu.memory_space<vmem>>
      %dma_start3A_26 = arith.constant 0 : i32
      %dma_start3A_27 = arith.constant 0 : i32
      %dma_start3A_28 = tpu.memref_slice %arg2[%dma_start3A_26, %dma_start3A_27] : memref<10000x128xf32, #tpu.memory_space<hbm>> -> memref<10000x128xf32, #tpu.memory_space<hbm>>
      tpu.enqueue_indirect_dma source(%dma_start3A_28 : memref<10000x128xf32, #tpu.memory_space<hbm>>) target(%arg9 : memref<128x128xf32, #tpu.memory_space<vmem>>) offsets(%dma_start3A_25 : memref<128xi32, #tpu.memory_space<vmem>>) semaphore(%arg11 : memref<!tpu.dma_semaphore, #tpu.memory_space<semaphore_mem>>)
      %dma_wait3A = arith.constant 0 : i32
      %dma_wait3A_29 = tpu.memref_slice %arg7[%scan3A_23, %dma_wait3A] : memref<79x128xi32, #tpu.memory_space<vmem>> -> memref<1x128xi32, #tpu.memory_space<vmem>>
      %dma_wait3A_30 = tpu.memref_squeeze %dma_wait3A_29 : memref<1x128xi32, #tpu.memory_space<vmem>> -> memref<128xi32, #tpu.memory_space<vmem>>
      %dma_wait3A_31 = arith.constant 0 : i32
      %dma_wait3A_32 = arith.constant 0 : i32
      %dma_wait3A_33 = tpu.memref_slice %arg2[%dma_wait3A_31, %dma_wait3A_32] : memref<10000x128xf32, #tpu.memory_space<hbm>> -> memref<10000x128xf32, #tpu.memory_space<hbm>>
      tpu.wait_indirect_dma semaphore(%arg11 : memref<!tpu.dma_semaphore, #tpu.memory_space<semaphore_mem>>) src(%dma_wait3A_33 : memref<10000x128xf32, #tpu.memory_space<hbm>>) dst(%arg9 : memref<128x128xf32, #tpu.memory_space<vmem>>)
      "tpu.region"() ({
        %run_scoped3A = tpu.sem_alloc : memref<!tpu.dma_semaphore, #tpu.memory_space<semaphore_mem>>
        %dma_start3A_34 = arith.constant 0 : i32
        %dma_start3A_35 = tpu.memref_slice %arg8[%scan3A_23, %dma_start3A_34] : memref<79x128xi32, #tpu.memory_space<vmem>> -> memref<1x128xi32, #tpu.memory_space<vmem>>
        %dma_start3A_36 = tpu.memref_squeeze %dma_start3A_35 : memref<1x128xi32, #tpu.memory_space<vmem>> -> memref<128xi32, #tpu.memory_space<vmem>>
        %dma_start3A_37 = arith.constant 0 : i32
        %dma_start3A_38 = arith.constant 0 : i32
        %dma_start3A_39 = tpu.memref_slice %arg10[%dma_start3A_37, %dma_start3A_38] : memref<10016x128xf32, #tpu.memory_space<vmem_shared>> -> memref<10016x128xf32, #tpu.memory_space<vmem_shared>>
        tpu.enqueue_indirect_dma source(%arg9 : memref<128x128xf32, #tpu.memory_space<vmem>>) target(%dma_start3A_39 : memref<10016x128xf32, #tpu.memory_space<vmem_shared>>) offsets(%dma_start3A_36 : memref<128xi32, #tpu.memory_space<vmem>>) semaphore(%run_scoped3A : memref<!tpu.dma_semaphore, #tpu.memory_space<semaphore_mem>>) {add = true}
        %dma_wait3A_40 = arith.constant 0 : i32
        %dma_wait3A_41 = tpu.memref_slice %arg8[%scan3A_23, %dma_wait3A_40] : memref<79x128xi32, #tpu.memory_space<vmem>> -> memref<1x128xi32, #tpu.memory_space<vmem>>
        %dma_wait3A_42 = tpu.memref_squeeze %dma_wait3A_41 : memref<1x128xi32, #tpu.memory_space<vmem>> -> memref<128xi32, #tpu.memory_space<vmem>>
        %dma_wait3A_43 = arith.constant 0 : i32
        %dma_wait3A_44 = arith.constant 0 : i32
        %dma_wait3A_45 = tpu.memref_slice %arg10[%dma_wait3A_43, %dma_wait3A_44] : memref<10016x128xf32, #tpu.memory_space<vmem_shared>> -> memref<10016x128xf32, #tpu.memory_space<vmem_shared>>
        tpu.wait_indirect_dma semaphore(%run_scoped3A : memref<!tpu.dma_semaphore, #tpu.memory_space<semaphore_mem>>) src(%arg9 : memref<128x128xf32, #tpu.memory_space<vmem>>) dst(%dma_wait3A_45 : memref<10016x128xf32, #tpu.memory_space<vmem_shared>>)
        tpu.yield
      }) : () -> ()
    }
    %scan3A_11 = arith.constant 79 : i32
    %barrier3A_12 = arith.constant 0 : index
    tpu.barrier barrier_id(%barrier3A_12)
    %lt3A_13 = arith.constant 15 : i32
    %lt3A_14 = arith.cmpi slt, %arg1, %lt3A_13 : i32
    %convert_element_type3A_15 = arith.extui %lt3A_14 : i1 to i32
    %cond3A_16 = arith.constant 0 : i32
    %cond3A_17 = arith.cmpi ne, %convert_element_type3A_15, %cond3A_16 : i32
    scf.if %cond3A_17 {
      %mul3A_23 = arith.constant 624 : i32
      %mul3A_24 = arith.muli %arg1, %mul3A_23 : i32
      %mul3A_25 = arith.constant 624 : i32
      %mul3A_26 = arith.muli %arg1, %mul3A_25 : i32
      "tpu.region"() ({
        %run_scoped3A = tpu.sem_alloc : memref<!tpu.dma_semaphore, #tpu.memory_space<semaphore_mem>>
        %dma_start3A = arith.constant 0 : i32
        %dma_start3A_27 = tpu.memref_slice %arg6[%arg0, %mul3A_26, %dma_start3A] : memref<2x10016x128xf32, #tpu.memory_space<hbm>> -> memref<1x624x128xf32, #tpu.memory_space<hbm>>
        %dma_start3A_28 = tpu.memref_squeeze %dma_start3A_27 : memref<1x624x128xf32, #tpu.memory_space<hbm>> -> memref<624x128xf32, #tpu.memory_space<hbm>>
        %dma_start3A_29 = arith.constant 0 : i32
        %dma_start3A_30 = tpu.memref_slice %arg10[%mul3A_24, %dma_start3A_29] : memref<10016x128xf32, #tpu.memory_space<vmem_shared>> -> memref<624x128xf32, #tpu.memory_space<vmem_shared>>
        tpu.enqueue_dma source(%dma_start3A_30 : memref<624x128xf32, #tpu.memory_space<vmem_shared>>) target(%dma_start3A_28 : memref<624x128xf32, #tpu.memory_space<hbm>>) target_semaphore(%run_scoped3A : memref<!tpu.dma_semaphore, #tpu.memory_space<semaphore_mem>>)
        %dma_wait3A = arith.constant 0 : i32
        %dma_wait3A_31 = tpu.memref_slice %arg6[%arg0, %mul3A_26, %dma_wait3A] : memref<2x10016x128xf32, #tpu.memory_space<hbm>> -> memref<1x624x128xf32, #tpu.memory_space<hbm>>
        %dma_wait3A_32 = tpu.memref_squeeze %dma_wait3A_31 : memref<1x624x128xf32, #tpu.memory_space<hbm>> -> memref<624x128xf32, #tpu.memory_space<hbm>>
        %dma_wait3A_33 = arith.constant 0 : i32
        %dma_wait3A_34 = tpu.memref_slice %arg10[%mul3A_24, %dma_wait3A_33] : memref<10016x128xf32, #tpu.memory_space<vmem_shared>> -> memref<624x128xf32, #tpu.memory_space<vmem_shared>>
        tpu.wait_dma2 semaphore(%run_scoped3A : memref<!tpu.dma_semaphore, #tpu.memory_space<semaphore_mem>>) src(%dma_wait3A_34 : memref<624x128xf32, #tpu.memory_space<vmem_shared>>) dst(%dma_wait3A_32 : memref<624x128xf32, #tpu.memory_space<hbm>>)
        tpu.yield
      }) : () -> ()
    } else {
    }
    %eq3A_18 = arith.constant 15 : i32
    %eq3A_19 = arith.cmpi eq, %arg1, %eq3A_18 : i32
    %convert_element_type3A_20 = arith.extui %eq3A_19 : i1 to i32
    %cond3A_21 = arith.constant 0 : i32
    %cond3A_22 = arith.cmpi ne, %convert_element_type3A_20, %cond3A_21 : i32
    scf.if %cond3A_22 {
      "tpu.region"() ({
        %run_scoped3A = tpu.sem_alloc : memref<!tpu.dma_semaphore, #tpu.memory_space<semaphore_mem>>
        %dma_start3A = arith.constant 9360 : i32
        %dma_start3A_23 = arith.constant 0 : i32
        %dma_start3A_24 = tpu.memref_slice %arg6[%arg0, %dma_start3A, %dma_start3A_23] : memref<2x10016x128xf32, #tpu.memory_space<hbm>> -> memref<1x656x128xf32, #tpu.memory_space<hbm>>
        %dma_start3A_25 = tpu.memref_squeeze %dma_start3A_24 : memref<1x656x128xf32, #tpu.memory_space<hbm>> -> memref<656x128xf32, #tpu.memory_space<hbm>>
        %dma_start3A_26 = arith.constant 9360 : i32
        %dma_start3A_27 = arith.constant 0 : i32
        %dma_start3A_28 = tpu.memref_slice %arg10[%dma_start3A_26, %dma_start3A_27] : memref<10016x128xf32, #tpu.memory_space<vmem_shared>> -> memref<656x128xf32, #tpu.memory_space<vmem_shared>>
        tpu.enqueue_dma source(%dma_start3A_28 : memref<656x128xf32, #tpu.memory_space<vmem_shared>>) target(%dma_start3A_25 : memref<656x128xf32, #tpu.memory_space<hbm>>) target_semaphore(%run_scoped3A : memref<!tpu.dma_semaphore, #tpu.memory_space<semaphore_mem>>)
        %dma_wait3A = arith.constant 9360 : i32
        %dma_wait3A_29 = arith.constant 0 : i32
        %dma_wait3A_30 = tpu.memref_slice %arg6[%arg0, %dma_wait3A, %dma_wait3A_29] : memref<2x10016x128xf32, #tpu.memory_space<hbm>> -> memref<1x656x128xf32, #tpu.memory_space<hbm>>
        %dma_wait3A_31 = tpu.memref_squeeze %dma_wait3A_30 : memref<1x656x128xf32, #tpu.memory_space<hbm>> -> memref<656x128xf32, #tpu.memory_space<hbm>>
        %dma_wait3A_32 = arith.constant 9360 : i32
        %dma_wait3A_33 = arith.constant 0 : i32
        %dma_wait3A_34 = tpu.memref_slice %arg10[%dma_wait3A_32, %dma_wait3A_33] : memref<10016x128xf32, #tpu.memory_space<vmem_shared>> -> memref<656x128xf32, #tpu.memory_space<vmem_shared>>
        tpu.wait_dma2 semaphore(%run_scoped3A : memref<!tpu.dma_semaphore, #tpu.memory_space<semaphore_mem>>) src(%dma_wait3A_34 : memref<656x128xf32, #tpu.memory_space<vmem_shared>>) dst(%dma_wait3A_31 : memref<656x128xf32, #tpu.memory_space<hbm>>)
        tpu.yield
      }) : () -> ()
    } else {
    }
    return
  }
}

module attributes {stable_mosaic.version = 14 : i64} {
  func.func @body(%arg0: i32, %arg1: memref<1000x128xf32, #tpu.memory_space<vmem>>, %arg2: memref<1000x128xf32, #tpu.memory_space<vmem>>, %arg3: memref<1000x128xf32, #tpu.memory_space<vmem>>, %arg4: memref<1000x128xf32, #tpu.memory_space<vmem>>, %arg5: memref<1000x128xf32, #tpu.memory_space<vmem>>, %arg6: memref<1x128xf32, #tpu.memory_space<vmem>>, %arg7: memref<128x128xf32, #tpu.memory_space<vmem>>, %arg8: memref<1x128xf32, #tpu.memory_space<vmem>>, %arg9: memref<128x128xf32, #tpu.memory_space<vmem>>, %arg10: memref<1000x128xf32, #tpu.memory_space<vmem>>, %arg11: memref<8x128xf32, #tpu.memory_space<vmem>>) attributes {dimension_semantics = [#tpu.dimension_semantics<arbitrary>], iteration_bounds = array<i64: 10>, scalar_prefetch = 0 : i64, scratch_operands = 0 : i64, tpu.core_type = #tpu.core_type<tc>, window_params = [{transform_indices = @transform_0, window_bounds = array<i64: 1000, 128>}, {transform_indices = @transform_1, window_bounds = array<i64: 1000, 128>}, {transform_indices = @transform_2, window_bounds = array<i64: 1000, 128>}, {transform_indices = @transform_3, window_bounds = array<i64: 1000, 128>}, {transform_indices = @transform_4, window_bounds = array<i64: 1000, 128>}, {pipeline_mode = #tpu.pipeline_mode<synchronous>, transform_indices = @transform_5, window_bounds = array<i64: 1, 128>}, {pipeline_mode = #tpu.pipeline_mode<synchronous>, transform_indices = @transform_6, window_bounds = array<i64: 128, 128>}, {pipeline_mode = #tpu.pipeline_mode<synchronous>, transform_indices = @transform_7, window_bounds = array<i64: 1, 128>}, {pipeline_mode = #tpu.pipeline_mode<synchronous>, transform_indices = @transform_8, window_bounds = array<i64: 128, 128>}, {transform_indices = @transform_9, window_bounds = array<i64: 1000, 128>}, {pipeline_mode = #tpu.pipeline_mode<synchronous>, transform_indices = @transform_10, window_bounds = array<i64: 8, 128>}]} {
    %get3A = arith.constant 0 : index
    %get3A_0 = arith.constant 0 : index
    %get3A_1 = vector.load %arg3[%get3A, %get3A_0] : memref<1000x128xf32, #tpu.memory_space<vmem>>, vector<1000x1xf32>
    %get3A_2 = arith.constant 0 : index
    %get3A_3 = arith.constant 0 : index
    %get3A_4 = vector.load %arg4[%get3A_2, %get3A_3] : memref<1000x128xf32, #tpu.memory_space<vmem>>, vector<1000x1xf32>
    %add3A = arith.addf %get3A_1, %get3A_4 : vector<1000x1xf32>
    %get3A_5 = arith.constant 0 : index
    %get3A_6 = arith.constant 0 : index
    %get3A_7 = vector.load %arg1[%get3A_5, %get3A_6] : memref<1000x128xf32, #tpu.memory_space<vmem>>, vector<1000x128xf32>
    %get3A_8 = arith.constant 0 : index
    %get3A_9 = arith.constant 0 : index
    %get3A_10 = vector.load %arg2[%get3A_8, %get3A_9] : memref<1000x128xf32, #tpu.memory_space<vmem>>, vector<1000x128xf32>
    %add3A_11 = arith.addf %get3A_7, %get3A_10 : vector<1000x128xf32>
    %get3A_12 = arith.constant 0 : index
    %get3A_13 = arith.constant 0 : index
    %get3A_14 = vector.load %arg6[%get3A_12, %get3A_13] : memref<1x128xf32, #tpu.memory_space<vmem>>, vector<1x128xf32>
    %mul3A = vector.broadcast %add3A : vector<1000x1xf32> to vector<1000x128xf32>
    %mul3A_15 = vector.broadcast %get3A_14 : vector<1x128xf32> to vector<1000x128xf32>
    %mul3A_16 = arith.mulf %mul3A, %mul3A_15 : vector<1000x128xf32>
    %add3A_17 = arith.addf %add3A_11, %mul3A_16 : vector<1000x128xf32>
    %max3A = arith.constant 1.000000e+00 : f32
    %max3A_18 = vector.broadcast %max3A : f32 to vector<1000x1xf32>
    %max3A_19 = arith.maximumf %add3A, %max3A_18 : vector<1000x1xf32>
    %div3A = vector.broadcast %max3A_19 : vector<1000x1xf32> to vector<1000x128xf32>
    %div3A_20 = arith.divf %add3A_17, %div3A : vector<1000x128xf32>
    %get3A_21 = arith.constant 0 : index
    %get3A_22 = arith.constant 0 : index
    %get3A_23 = vector.load %arg5[%get3A_21, %get3A_22] : memref<1000x128xf32, #tpu.memory_space<vmem>>, vector<1000x128xf32>
    %get3A_24 = arith.constant 0 : index
    %get3A_25 = arith.constant 0 : index
    %get3A_26 = vector.load %arg6[%get3A_24, %get3A_25] : memref<1x128xf32, #tpu.memory_space<vmem>>, vector<1x128xf32>
    %add3A_27 = vector.broadcast %get3A_26 : vector<1x128xf32> to vector<1000x128xf32>
    %add3A_28 = arith.addf %get3A_23, %add3A_27 : vector<1000x128xf32>
    %get3A_29 = arith.constant 0 : index
    %get3A_30 = arith.constant 0 : index
    %get3A_31 = vector.load %arg7[%get3A_29, %get3A_30] : memref<128x128xf32, #tpu.memory_space<vmem>>, vector<128x128xf32>
    %dot_general3A = arith.constant dense<0.000000e+00> : vector<1000x128xf32>
    %dot_general3A_32 = tpu.matmul %div3A_20, %get3A_31, %dot_general3A {dimension_numbers = #tpu.dot_dimension_numbers<[1], [0], [0], [1], [0, 0, 1, 1], [], []>, transpose_lhs_hint = false} : vector<1000x128xf32>, vector<128x128xf32>, vector<1000x128xf32> -> vector<1000x128xf32>
    %get3A_33 = arith.constant 0 : index
    %get3A_34 = arith.constant 0 : index
    %get3A_35 = vector.load %arg8[%get3A_33, %get3A_34] : memref<1x128xf32, #tpu.memory_space<vmem>>, vector<1x128xf32>
    %add3A_36 = vector.broadcast %get3A_35 : vector<1x128xf32> to vector<1000x128xf32>
    %add3A_37 = arith.addf %dot_general3A_32, %add3A_36 : vector<1000x128xf32>
    %get3A_38 = arith.constant 0 : index
    %get3A_39 = arith.constant 0 : index
    %get3A_40 = vector.load %arg9[%get3A_38, %get3A_39] : memref<128x128xf32, #tpu.memory_space<vmem>>, vector<128x128xf32>
    %dot_general3A_41 = arith.constant dense<0.000000e+00> : vector<1000x128xf32>
    %dot_general3A_42 = tpu.matmul %add3A_28, %get3A_40, %dot_general3A_41 {dimension_numbers = #tpu.dot_dimension_numbers<[1], [0], [0], [1], [0, 0, 1, 1], [], []>, transpose_lhs_hint = false} : vector<1000x128xf32>, vector<128x128xf32>, vector<1000x128xf32> -> vector<1000x128xf32>
    %add3A_43 = arith.addf %add3A_37, %dot_general3A_42 : vector<1000x128xf32>
    %swap3A = arith.constant 0 : index
    %swap3A_44 = arith.constant 0 : index
    %swap3A_45 = vector.load %arg10[%swap3A, %swap3A_44] : memref<1000x128xf32, #tpu.memory_space<vmem>>, vector<1000x128xf32>
    tpu.vector_store %arg10[%swap3A, %swap3A_44], %add3A_43 {strides = array<i32>} : memref<1000x128xf32, #tpu.memory_space<vmem>>, vector<1000x128xf32>,
    %eq3A = arith.constant 0 : i32
    %eq3A_46 = arith.cmpi eq, %arg0, %eq3A : i32
    %convert_element_type3A = arith.extui %eq3A_46 : i1 to i32
    %cond3A = arith.constant 0 : i32
    %cond3A_47 = arith.cmpi ne, %convert_element_type3A, %cond3A : i32
    scf.if %cond3A_47 {
      %broadcast_in_dim3A_67 = arith.constant 0.000000e+00 : f32
      %broadcast_in_dim3A_68 = vector.broadcast %broadcast_in_dim3A_67 : f32 to vector<8x128xf32>
      %swap3A_69 = arith.constant 0 : index
      %swap3A_70 = arith.constant 0 : index
      %swap3A_71 = vector.load %arg11[%swap3A_69, %swap3A_70] : memref<8x128xf32, #tpu.memory_space<vmem>>, vector<8x128xf32>
      tpu.vector_store %arg11[%swap3A_69, %swap3A_70], %broadcast_in_dim3A_68 {strides = array<i32>} : memref<8x128xf32, #tpu.memory_space<vmem>>, vector<8x128xf32>,
    } else {
    }
    %get3A_48 = arith.constant 0 : index
    %get3A_49 = arith.constant 0 : index
    %get3A_50 = vector.load %arg11[%get3A_48, %get3A_49] : memref<8x128xf32, #tpu.memory_space<vmem>>, vector<1x128xf32>
    %reduce_sum3A = arith.constant dense<0.000000e+00> : vector<128xf32>
    %reduce_sum3A_51 = vector.multi_reduction <add>, %add3A_43, %reduce_sum3A [0] : vector<1000x128xf32> to vector<128xf32>
    %broadcast_in_dim3A = vector.shape_cast %reduce_sum3A_51 : vector<128xf32> to vector<1x128xf32>
    %add3A_52 = arith.addf %get3A_50, %broadcast_in_dim3A : vector<1x128xf32>
    %swap3A_53 = arith.constant 0 : index
    %swap3A_54 = arith.constant 0 : index
    %swap3A_55 = vector.load %arg11[%swap3A_53, %swap3A_54] : memref<8x128xf32, #tpu.memory_space<vmem>>, vector<1x128xf32>
    tpu.vector_store %arg11[%swap3A_53, %swap3A_54], %add3A_52 {strides = array<i32>} : memref<8x128xf32, #tpu.memory_space<vmem>>, vector<1x128xf32>,
    %get3A_56 = arith.constant 1 : index
    %get3A_57 = arith.constant 0 : index
    %get3A_58 = vector.load %arg11[%get3A_56, %get3A_57] : memref<8x128xf32, #tpu.memory_space<vmem>>, vector<1x128xf32>
    %mul3A_59 = arith.mulf %add3A_43, %add3A_43 : vector<1000x128xf32>
    %reduce_sum3A_60 = arith.constant dense<0.000000e+00> : vector<128xf32>
    %reduce_sum3A_61 = vector.multi_reduction <add>, %mul3A_59, %reduce_sum3A_60 [0] : vector<1000x128xf32> to vector<128xf32>
    %broadcast_in_dim3A_62 = vector.shape_cast %reduce_sum3A_61 : vector<128xf32> to vector<1x128xf32>
    %add3A_63 = arith.addf %get3A_58, %broadcast_in_dim3A_62 : vector<1x128xf32>
    %swap3A_64 = arith.constant 1 : index
    %swap3A_65 = arith.constant 0 : index
    %swap3A_66 = vector.load %arg11[%swap3A_64, %swap3A_65] : memref<8x128xf32, #tpu.memory_space<vmem>>, vector<1x128xf32>
    tpu.vector_store %arg11[%swap3A_64, %swap3A_65], %add3A_63 {strides = array<i32>} : memref<8x128xf32, #tpu.memory_space<vmem>>, vector<1x128xf32>,
    return
  }
  func.func @transform_0(%arg0: i32) -> (i32, i32) {
    %c0_i32 = arith.constant 0 : i32
    %c0_i32_0 = arith.constant 0 : i32
    return %arg0, %c0_i32 : i32, i32
  }
  func.func @transform_1(%arg0: i32) -> (i32, i32) {
    %c0_i32 = arith.constant 0 : i32
    %c0_i32_0 = arith.constant 0 : i32
    return %arg0, %c0_i32 : i32, i32
  }
  func.func @transform_2(%arg0: i32) -> (i32, i32) {
    %c0_i32 = arith.constant 0 : i32
    %c0_i32_0 = arith.constant 0 : i32
    return %arg0, %c0_i32 : i32, i32
  }
  func.func @transform_3(%arg0: i32) -> (i32, i32) {
    %c0_i32 = arith.constant 0 : i32
    %c0_i32_0 = arith.constant 0 : i32
    return %arg0, %c0_i32 : i32, i32
  }
  func.func @transform_4(%arg0: i32) -> (i32, i32) {
    %c0_i32 = arith.constant 0 : i32
    %c0_i32_0 = arith.constant 0 : i32
    return %arg0, %c0_i32 : i32, i32
  }
  func.func @transform_5(%arg0: i32) -> (i32, i32) {
    %c0_i32 = arith.constant 0 : i32
    %c0_i32_0 = arith.constant 0 : i32
    %c0_i32_1 = arith.constant 0 : i32
    return %c0_i32, %c0_i32_0 : i32, i32
  }
  func.func @transform_6(%arg0: i32) -> (i32, i32) {
    %c0_i32 = arith.constant 0 : i32
    %c0_i32_0 = arith.constant 0 : i32
    %c0_i32_1 = arith.constant 0 : i32
    return %c0_i32, %c0_i32_0 : i32, i32
  }
  func.func @transform_7(%arg0: i32) -> (i32, i32) {
    %c0_i32 = arith.constant 0 : i32
    %c0_i32_0 = arith.constant 0 : i32
    %c0_i32_1 = arith.constant 0 : i32
    return %c0_i32, %c0_i32_0 : i32, i32
  }
  func.func @transform_8(%arg0: i32) -> (i32, i32) {
    %c0_i32 = arith.constant 0 : i32
    %c0_i32_0 = arith.constant 0 : i32
    %c0_i32_1 = arith.constant 0 : i32
    return %c0_i32, %c0_i32_0 : i32, i32
  }
  func.func @transform_9(%arg0: i32) -> (i32, i32) {
    %c0_i32 = arith.constant 0 : i32
    %c0_i32_0 = arith.constant 0 : i32
    return %arg0, %c0_i32 : i32, i32
  }
  func.func @transform_10(%arg0: i32) -> (i32, i32) {
    %c0_i32 = arith.constant 0 : i32
    %c0_i32_0 = arith.constant 0 : i32
    %c0_i32_1 = arith.constant 0 : i32
    return %c0_i32, %c0_i32_0 : i32, i32
  }
}

module attributes {stable_mosaic.version = 14 : i64} {
  func.func @body(%arg0: i32, %arg1: memref<1000x128xf32, #tpu.memory_space<vmem>>, %arg2: memref<8x128xf32, #tpu.memory_space<vmem>>, %arg3: memref<1x128xf32, #tpu.memory_space<vmem>>, %arg4: memref<1x128xf32, #tpu.memory_space<vmem>>, %arg5: memref<1000x128xf32, #tpu.memory_space<vmem>>, %arg6: memref<8x128xf32, #tpu.memory_space<vmem>>) attributes {dimension_semantics = [#tpu.dimension_semantics<arbitrary>], iteration_bounds = array<i64: 10>, scalar_prefetch = 0 : i64, scratch_operands = 0 : i64, tpu.core_type = #tpu.core_type<tc>, window_params = [{transform_indices = @transform_0, window_bounds = array<i64: 1000, 128>}, {pipeline_mode = #tpu.pipeline_mode<synchronous>, transform_indices = @transform_1, window_bounds = array<i64: 8, 128>}, {pipeline_mode = #tpu.pipeline_mode<synchronous>, transform_indices = @transform_2, window_bounds = array<i64: 1, 128>}, {pipeline_mode = #tpu.pipeline_mode<synchronous>, transform_indices = @transform_3, window_bounds = array<i64: 1, 128>}, {transform_indices = @transform_4, window_bounds = array<i64: 1000, 128>}, {pipeline_mode = #tpu.pipeline_mode<synchronous>, transform_indices = @transform_5, window_bounds = array<i64: 8, 128>}]} {
    %get3A = arith.constant 0 : index
    %get3A_0 = arith.constant 0 : index
    %get3A_1 = vector.load %arg2[%get3A, %get3A_0] : memref<8x128xf32, #tpu.memory_space<vmem>>, vector<1x128xf32>
    %mul3A = arith.constant 9.99999974E-5 : f32
    %mul3A_2 = vector.broadcast %mul3A : f32 to vector<1x128xf32>
    %mul3A_3 = arith.mulf %get3A_1, %mul3A_2 : vector<1x128xf32>
    %get3A_4 = arith.constant 1 : index
    %get3A_5 = arith.constant 0 : index
    %get3A_6 = vector.load %arg2[%get3A_4, %get3A_5] : memref<8x128xf32, #tpu.memory_space<vmem>>, vector<1x128xf32>
    %mul3A_7 = arith.constant 9.99999974E-5 : f32
    %mul3A_8 = vector.broadcast %mul3A_7 : f32 to vector<1x128xf32>
    %mul3A_9 = arith.mulf %get3A_6, %mul3A_8 : vector<1x128xf32>
    %mul3A_10 = arith.mulf %mul3A_3, %mul3A_3 : vector<1x128xf32>
    %sub3A = arith.subf %mul3A_9, %mul3A_10 : vector<1x128xf32>
    %get3A_11 = arith.constant 0 : index
    %get3A_12 = arith.constant 0 : index
    %get3A_13 = vector.load %arg1[%get3A_11, %get3A_12] : memref<1000x128xf32, #tpu.memory_space<vmem>>, vector<1000x128xf32>
    %sub3A_14 = vector.broadcast %mul3A_3 : vector<1x128xf32> to vector<1000x128xf32>
    %sub3A_15 = arith.subf %get3A_13, %sub3A_14 : vector<1000x128xf32>
    %add3A = arith.constant 9.99999974E-6 : f32
    %add3A_16 = vector.broadcast %add3A : f32 to vector<1x128xf32>
    %add3A_17 = arith.addf %sub3A, %add3A_16 : vector<1x128xf32>
    %rsqrt3A = math.rsqrt %add3A_17 : vector<1x128xf32>
    %mul3A_18 = vector.broadcast %rsqrt3A : vector<1x128xf32> to vector<1000x128xf32>
    %mul3A_19 = arith.mulf %sub3A_15, %mul3A_18 : vector<1000x128xf32>
    %get3A_20 = arith.constant 0 : index
    %get3A_21 = arith.constant 0 : index
    %get3A_22 = vector.load %arg3[%get3A_20, %get3A_21] : memref<1x128xf32, #tpu.memory_space<vmem>>, vector<1x128xf32>
    %mul3A_23 = vector.broadcast %get3A_22 : vector<1x128xf32> to vector<1000x128xf32>
    %mul3A_24 = arith.mulf %mul3A_19, %mul3A_23 : vector<1000x128xf32>
    %get3A_25 = arith.constant 0 : index
    %get3A_26 = arith.constant 0 : index
    %get3A_27 = vector.load %arg4[%get3A_25, %get3A_26] : memref<1x128xf32, #tpu.memory_space<vmem>>, vector<1x128xf32>
    %add3A_28 = vector.broadcast %get3A_27 : vector<1x128xf32> to vector<1000x128xf32>
    %add3A_29 = arith.addf %mul3A_24, %add3A_28 : vector<1000x128xf32>
    %max3A = arith.constant 0.000000e+00 : f32
    %max3A_30 = vector.broadcast %max3A : f32 to vector<1000x128xf32>
    %max3A_31 = arith.maximumf %add3A_29, %max3A_30 : vector<1000x128xf32>
    %swap3A = arith.constant 0 : index
    %swap3A_32 = arith.constant 0 : index
    %swap3A_33 = vector.load %arg5[%swap3A, %swap3A_32] : memref<1000x128xf32, #tpu.memory_space<vmem>>, vector<1000x128xf32>
    tpu.vector_store %arg5[%swap3A, %swap3A_32], %max3A_31 {strides = array<i32>} : memref<1000x128xf32, #tpu.memory_space<vmem>>, vector<1000x128xf32>,
    %eq3A = arith.constant 0 : i32
    %eq3A_34 = arith.cmpi eq, %arg0, %eq3A : i32
    %convert_element_type3A = arith.extui %eq3A_34 : i1 to i32
    %cond3A = arith.constant 0 : i32
    %cond3A_35 = arith.cmpi ne, %convert_element_type3A, %cond3A : i32
    scf.if %cond3A_35 {
      %broadcast_in_dim3A_44 = arith.constant 0.000000e+00 : f32
      %broadcast_in_dim3A_45 = vector.broadcast %broadcast_in_dim3A_44 : f32 to vector<8x128xf32>
      %swap3A_46 = arith.constant 0 : index
      %swap3A_47 = arith.constant 0 : index
      %swap3A_48 = vector.load %arg6[%swap3A_46, %swap3A_47] : memref<8x128xf32, #tpu.memory_space<vmem>>, vector<8x128xf32>
      tpu.vector_store %arg6[%swap3A_46, %swap3A_47], %broadcast_in_dim3A_45 {strides = array<i32>} : memref<8x128xf32, #tpu.memory_space<vmem>>, vector<8x128xf32>,
    } else {
    }
    %get3A_36 = arith.constant 0 : index
    %get3A_37 = arith.constant 0 : index
    %get3A_38 = vector.load %arg6[%get3A_36, %get3A_37] : memref<8x128xf32, #tpu.memory_space<vmem>>, vector<1x128xf32>
    %reduce_sum3A = arith.constant dense<0.000000e+00> : vector<128xf32>
    %reduce_sum3A_39 = vector.multi_reduction <add>, %max3A_31, %reduce_sum3A [0] : vector<1000x128xf32> to vector<128xf32>
    %broadcast_in_dim3A = vector.shape_cast %reduce_sum3A_39 : vector<128xf32> to vector<1x128xf32>
    %add3A_40 = arith.addf %get3A_38, %broadcast_in_dim3A : vector<1x128xf32>
    %swap3A_41 = arith.constant 0 : index
    %swap3A_42 = arith.constant 0 : index
    %swap3A_43 = vector.load %arg6[%swap3A_41, %swap3A_42] : memref<8x128xf32, #tpu.memory_space<vmem>>, vector<1x128xf32>
    tpu.vector_store %arg6[%swap3A_41, %swap3A_42], %add3A_40 {strides = array<i32>} : memref<8x128xf32, #tpu.memory_space<vmem>>, vector<1x128xf32>,
    return
  }
  func.func @transform_0(%arg0: i32) -> (i32, i32) {
    %c0_i32 = arith.constant 0 : i32
    %c0_i32_0 = arith.constant 0 : i32
    return %arg0, %c0_i32 : i32, i32
  }
  func.func @transform_1(%arg0: i32) -> (i32, i32) {
    %c0_i32 = arith.constant 0 : i32
    %c0_i32_0 = arith.constant 0 : i32
    %c0_i32_1 = arith.constant 0 : i32
    return %c0_i32, %c0_i32_0 : i32, i32
  }
  func.func @transform_2(%arg0: i32) -> (i32, i32) {
    %c0_i32 = arith.constant 0 : i32
    %c0_i32_0 = arith.constant 0 : i32
    %c0_i32_1 = arith.constant 0 : i32
    return %c0_i32, %c0_i32_0 : i32, i32
  }
  func.func @transform_3(%arg0: i32) -> (i32, i32) {
    %c0_i32 = arith.constant 0 : i32
    %c0_i32_0 = arith.constant 0 : i32
    %c0_i32_1 = arith.constant 0 : i32
    return %c0_i32, %c0_i32_0 : i32, i32
  }
  func.func @transform_4(%arg0: i32) -> (i32, i32) {
    %c0_i32 = arith.constant 0 : i32
    %c0_i32_0 = arith.constant 0 : i32
    return %arg0, %c0_i32 : i32, i32
  }
  func.func @transform_5(%arg0: i32) -> (i32, i32) {
    %c0_i32 = arith.constant 0 : i32
    %c0_i32_0 = arith.constant 0 : i32
    %c0_i32_1 = arith.constant 0 : i32
    return %c0_i32, %c0_i32_0 : i32, i32
  }
}

module attributes {stable_mosaic.version = 14 : i64} {
  func.func @body(%arg0: memref<8x128xf32, #tpu.memory_space<vmem>>, %arg1: memref<1x128xf32, #tpu.memory_space<vmem>>, %arg2: memref<128x256xf32, #tpu.memory_space<vmem>>, %arg3: memref<1x256xf32, #tpu.memory_space<vmem>>, %arg4: memref<1x256xf32, #tpu.memory_space<vmem>>, %arg5: memref<1x256xf32, #tpu.memory_space<vmem>>, %arg6: memref<256x128xf32, #tpu.memory_space<vmem>>, %arg7: memref<1x128xf32, #tpu.memory_space<vmem>>, %arg8: memref<1x128xf32, #tpu.memory_space<vmem>>, %arg9: memref<1x128xf32, #tpu.memory_space<vmem>>, %arg10: memref<1x128xf32, #tpu.memory_space<vmem>>) attributes {dimension_semantics = [], scalar_prefetch = 0 : i64, scratch_operands = 0 : i64, tpu.core_type = #tpu.core_type<tc>} {
    %get3A = arith.constant 0 : index
    %get3A_0 = arith.constant 0 : index
    %get3A_1 = vector.load %arg0[%get3A, %get3A_0] : memref<8x128xf32, #tpu.memory_space<vmem>>, vector<1x128xf32>
    %get3A_2 = arith.constant 0 : index
    %get3A_3 = arith.constant 0 : index
    %get3A_4 = vector.load %arg1[%get3A_2, %get3A_3] : memref<1x128xf32, #tpu.memory_space<vmem>>, vector<1x128xf32>
    %add3A = arith.addf %get3A_1, %get3A_4 : vector<1x128xf32>
    %get3A_5 = arith.constant 0 : index
    %get3A_6 = arith.constant 0 : index
    %get3A_7 = vector.load %arg2[%get3A_5, %get3A_6] : memref<128x256xf32, #tpu.memory_space<vmem>>, vector<128x256xf32>
    %dot_general3A = arith.constant dense<0.000000e+00> : vector<1x256xf32>
    %dot_general3A_8 = tpu.matmul %add3A, %get3A_7, %dot_general3A {dimension_numbers = #tpu.dot_dimension_numbers<[1], [0], [0], [1], [0, 0, 1, 1], [], []>, transpose_lhs_hint = false} : vector<1x128xf32>, vector<128x256xf32>, vector<1x256xf32> -> vector<1x256xf32>
    %get3A_9 = arith.constant 0 : index
    %get3A_10 = arith.constant 0 : index
    %get3A_11 = vector.load %arg3[%get3A_9, %get3A_10] : memref<1x256xf32, #tpu.memory_space<vmem>>, vector<1x256xf32>
    %add3A_12 = arith.addf %dot_general3A_8, %get3A_11 : vector<1x256xf32>
    %max3A = arith.constant 0.000000e+00 : f32
    %max3A_13 = vector.broadcast %max3A : f32 to vector<1x256xf32>
    %max3A_14 = arith.maximumf %add3A_12, %max3A_13 : vector<1x256xf32>
    %get3A_15 = arith.constant 0 : index
    %get3A_16 = arith.constant 0 : index
    %get3A_17 = vector.load %arg4[%get3A_15, %get3A_16] : memref<1x256xf32, #tpu.memory_space<vmem>>, vector<1x256xf32>
    %get3A_18 = arith.constant 0 : index
    %get3A_19 = arith.constant 0 : index
    %get3A_20 = vector.load %arg5[%get3A_18, %get3A_19] : memref<1x256xf32, #tpu.memory_space<vmem>>, vector<1x256xf32>
    %reduce_sum3A = arith.constant dense<0.000000e+00> : vector<1xf32>
    %reduce_sum3A_21 = vector.multi_reduction <add>, %max3A_14, %reduce_sum3A [1] : vector<1x256xf32> to vector<1xf32>
    %broadcast_in_dim3A = vector.shape_cast %reduce_sum3A_21 : vector<1xf32> to vector<1x1xf32>
    %div3A = arith.constant 2.560000e+02 : f32
    %div3A_22 = vector.broadcast %div3A : f32 to vector<1x1xf32>
    %div3A_23 = arith.divf %broadcast_in_dim3A, %div3A_22 : vector<1x1xf32>
    %sub3A = vector.broadcast %div3A_23 : vector<1x1xf32> to vector<1x256xf32>
    %sub3A_24 = arith.subf %max3A_14, %sub3A : vector<1x256xf32>
    %mul3A = arith.mulf %sub3A_24, %sub3A_24 : vector<1x256xf32>
    %reduce_sum3A_25 = arith.constant dense<0.000000e+00> : vector<1xf32>
    %reduce_sum3A_26 = vector.multi_reduction <add>, %mul3A, %reduce_sum3A_25 [1] : vector<1x256xf32> to vector<1xf32>
    %broadcast_in_dim3A_27 = vector.shape_cast %reduce_sum3A_26 : vector<1xf32> to vector<1x1xf32>
    %div3A_28 = arith.constant 2.560000e+02 : f32
    %div3A_29 = vector.broadcast %div3A_28 : f32 to vector<1x1xf32>
    %div3A_30 = arith.divf %broadcast_in_dim3A_27, %div3A_29 : vector<1x1xf32>
    %add3A_31 = arith.constant 9.99999974E-6 : f32
    %add3A_32 = vector.broadcast %add3A_31 : f32 to vector<1x1xf32>
    %add3A_33 = arith.addf %div3A_30, %add3A_32 : vector<1x1xf32>
    %rsqrt3A = math.rsqrt %add3A_33 : vector<1x1xf32>
    %mul3A_34 = vector.broadcast %rsqrt3A : vector<1x1xf32> to vector<1x256xf32>
    %mul3A_35 = arith.mulf %sub3A_24, %mul3A_34 : vector<1x256xf32>
    %mul3A_36 = arith.mulf %mul3A_35, %get3A_17 : vector<1x256xf32>
    %add3A_37 = arith.addf %mul3A_36, %get3A_20 : vector<1x256xf32>
    %get3A_38 = arith.constant 0 : index
    %get3A_39 = arith.constant 0 : index
    %get3A_40 = vector.load %arg6[%get3A_38, %get3A_39] : memref<256x128xf32, #tpu.memory_space<vmem>>, vector<256x128xf32>
    %dot_general3A_41 = arith.constant dense<0.000000e+00> : vector<1x128xf32>
    %dot_general3A_42 = tpu.matmul %add3A_37, %get3A_40, %dot_general3A_41 {dimension_numbers = #tpu.dot_dimension_numbers<[1], [0], [0], [1], [0, 0, 1, 1], [], []>, transpose_lhs_hint = false} : vector<1x256xf32>, vector<256x128xf32>, vector<1x128xf32> -> vector<1x128xf32>
    %get3A_43 = arith.constant 0 : index
    %get3A_44 = arith.constant 0 : index
    %get3A_45 = vector.load %arg7[%get3A_43, %get3A_44] : memref<1x128xf32, #tpu.memory_space<vmem>>, vector<1x128xf32>
    %add3A_46 = arith.addf %dot_general3A_42, %get3A_45 : vector<1x128xf32>
    %max3A_47 = arith.constant 0.000000e+00 : f32
    %max3A_48 = vector.broadcast %max3A_47 : f32 to vector<1x128xf32>
    %max3A_49 = arith.maximumf %add3A_46, %max3A_48 : vector<1x128xf32>
    %get3A_50 = arith.constant 0 : index
    %get3A_51 = arith.constant 0 : index
    %get3A_52 = vector.load %arg8[%get3A_50, %get3A_51] : memref<1x128xf32, #tpu.memory_space<vmem>>, vector<1x128xf32>
    %get3A_53 = arith.constant 0 : index
    %get3A_54 = arith.constant 0 : index
    %get3A_55 = vector.load %arg9[%get3A_53, %get3A_54] : memref<1x128xf32, #tpu.memory_space<vmem>>, vector<1x128xf32>
    %reduce_sum3A_56 = arith.constant dense<0.000000e+00> : vector<1xf32>
    %reduce_sum3A_57 = vector.multi_reduction <add>, %max3A_49, %reduce_sum3A_56 [1] : vector<1x128xf32> to vector<1xf32>
    %broadcast_in_dim3A_58 = vector.shape_cast %reduce_sum3A_57 : vector<1xf32> to vector<1x1xf32>
    %div3A_59 = arith.constant 1.280000e+02 : f32
    %div3A_60 = vector.broadcast %div3A_59 : f32 to vector<1x1xf32>
    %div3A_61 = arith.divf %broadcast_in_dim3A_58, %div3A_60 : vector<1x1xf32>
    %sub3A_62 = vector.broadcast %div3A_61 : vector<1x1xf32> to vector<1x128xf32>
    %sub3A_63 = arith.subf %max3A_49, %sub3A_62 : vector<1x128xf32>
    %mul3A_64 = arith.mulf %sub3A_63, %sub3A_63 : vector<1x128xf32>
    %reduce_sum3A_65 = arith.constant dense<0.000000e+00> : vector<1xf32>
    %reduce_sum3A_66 = vector.multi_reduction <add>, %mul3A_64, %reduce_sum3A_65 [1] : vector<1x128xf32> to vector<1xf32>
    %broadcast_in_dim3A_67 = vector.shape_cast %reduce_sum3A_66 : vector<1xf32> to vector<1x1xf32>
    %div3A_68 = arith.constant 1.280000e+02 : f32
    %div3A_69 = vector.broadcast %div3A_68 : f32 to vector<1x1xf32>
    %div3A_70 = arith.divf %broadcast_in_dim3A_67, %div3A_69 : vector<1x1xf32>
    %add3A_71 = arith.constant 9.99999974E-6 : f32
    %add3A_72 = vector.broadcast %add3A_71 : f32 to vector<1x1xf32>
    %add3A_73 = arith.addf %div3A_70, %add3A_72 : vector<1x1xf32>
    %rsqrt3A_74 = math.rsqrt %add3A_73 : vector<1x1xf32>
    %mul3A_75 = vector.broadcast %rsqrt3A_74 : vector<1x1xf32> to vector<1x128xf32>
    %mul3A_76 = arith.mulf %sub3A_63, %mul3A_75 : vector<1x128xf32>
    %mul3A_77 = arith.mulf %mul3A_76, %get3A_52 : vector<1x128xf32>
    %add3A_78 = arith.addf %mul3A_77, %get3A_55 : vector<1x128xf32>
    %swap3A = arith.constant 0 : index
    %swap3A_79 = arith.constant 0 : index
    %swap3A_80 = vector.load %arg10[%swap3A, %swap3A_79] : memref<1x128xf32, #tpu.memory_space<vmem>>, vector<1x128xf32>
    tpu.vector_store %arg10[%swap3A, %swap3A_79], %add3A_78 {strides = array<i32>} : memref<1x128xf32, #tpu.memory_space<vmem>>, vector<1x128xf32>,
    return
  }
}

module attributes {stable_mosaic.version = 14 : i64} {
  func.func @body(%arg0: i32, %arg1: memref<1000x128xf32, #tpu.memory_space<vmem>>, %arg2: memref<8x128xf32, #tpu.memory_space<vmem>>, %arg3: memref<1x128xf32, #tpu.memory_space<vmem>>, %arg4: memref<1x128xf32, #tpu.memory_space<vmem>>, %arg5: memref<1000x128xf32, #tpu.memory_space<vmem>>, %arg6: memref<8x128xf32, #tpu.memory_space<vmem>>) attributes {dimension_semantics = [#tpu.dimension_semantics<arbitrary>], iteration_bounds = array<i64: 10>, scalar_prefetch = 0 : i64, scratch_operands = 0 : i64, tpu.core_type = #tpu.core_type<tc>, window_params = [{transform_indices = @transform_0, window_bounds = array<i64: 1000, 128>}, {pipeline_mode = #tpu.pipeline_mode<synchronous>, transform_indices = @transform_1, window_bounds = array<i64: 8, 128>}, {pipeline_mode = #tpu.pipeline_mode<synchronous>, transform_indices = @transform_2, window_bounds = array<i64: 1, 128>}, {pipeline_mode = #tpu.pipeline_mode<synchronous>, transform_indices = @transform_3, window_bounds = array<i64: 1, 128>}, {transform_indices = @transform_4, window_bounds = array<i64: 1000, 128>}, {pipeline_mode = #tpu.pipeline_mode<synchronous>, transform_indices = @transform_5, window_bounds = array<i64: 8, 128>}]} {
    %get3A = arith.constant 0 : index
    %get3A_0 = arith.constant 0 : index
    %get3A_1 = vector.load %arg2[%get3A, %get3A_0] : memref<8x128xf32, #tpu.memory_space<vmem>>, vector<1x128xf32>
    %mul3A = arith.constant 9.99999974E-5 : f32
    %mul3A_2 = vector.broadcast %mul3A : f32 to vector<1x128xf32>
    %mul3A_3 = arith.mulf %get3A_1, %mul3A_2 : vector<1x128xf32>
    %get3A_4 = arith.constant 1 : index
    %get3A_5 = arith.constant 0 : index
    %get3A_6 = vector.load %arg2[%get3A_4, %get3A_5] : memref<8x128xf32, #tpu.memory_space<vmem>>, vector<1x128xf32>
    %mul3A_7 = arith.constant 9.99999974E-5 : f32
    %mul3A_8 = vector.broadcast %mul3A_7 : f32 to vector<1x128xf32>
    %mul3A_9 = arith.mulf %get3A_6, %mul3A_8 : vector<1x128xf32>
    %mul3A_10 = arith.mulf %mul3A_3, %mul3A_3 : vector<1x128xf32>
    %sub3A = arith.subf %mul3A_9, %mul3A_10 : vector<1x128xf32>
    %get3A_11 = arith.constant 0 : index
    %get3A_12 = arith.constant 0 : index
    %get3A_13 = vector.load %arg1[%get3A_11, %get3A_12] : memref<1000x128xf32, #tpu.memory_space<vmem>>, vector<1000x128xf32>
    %sub3A_14 = vector.broadcast %mul3A_3 : vector<1x128xf32> to vector<1000x128xf32>
    %sub3A_15 = arith.subf %get3A_13, %sub3A_14 : vector<1000x128xf32>
    %add3A = arith.constant 9.99999974E-6 : f32
    %add3A_16 = vector.broadcast %add3A : f32 to vector<1x128xf32>
    %add3A_17 = arith.addf %sub3A, %add3A_16 : vector<1x128xf32>
    %rsqrt3A = math.rsqrt %add3A_17 : vector<1x128xf32>
    %mul3A_18 = vector.broadcast %rsqrt3A : vector<1x128xf32> to vector<1000x128xf32>
    %mul3A_19 = arith.mulf %sub3A_15, %mul3A_18 : vector<1000x128xf32>
    %get3A_20 = arith.constant 0 : index
    %get3A_21 = arith.constant 0 : index
    %get3A_22 = vector.load %arg3[%get3A_20, %get3A_21] : memref<1x128xf32, #tpu.memory_space<vmem>>, vector<1x128xf32>
    %mul3A_23 = vector.broadcast %get3A_22 : vector<1x128xf32> to vector<1000x128xf32>
    %mul3A_24 = arith.mulf %mul3A_19, %mul3A_23 : vector<1000x128xf32>
    %get3A_25 = arith.constant 0 : index
    %get3A_26 = arith.constant 0 : index
    %get3A_27 = vector.load %arg4[%get3A_25, %get3A_26] : memref<1x128xf32, #tpu.memory_space<vmem>>, vector<1x128xf32>
    %add3A_28 = vector.broadcast %get3A_27 : vector<1x128xf32> to vector<1000x128xf32>
    %add3A_29 = arith.addf %mul3A_24, %add3A_28 : vector<1000x128xf32>
    %swap3A = arith.constant 0 : index
    %swap3A_30 = arith.constant 0 : index
    %swap3A_31 = vector.load %arg5[%swap3A, %swap3A_30] : memref<1000x128xf32, #tpu.memory_space<vmem>>, vector<1000x128xf32>
    tpu.vector_store %arg5[%swap3A, %swap3A_30], %add3A_29 {strides = array<i32>} : memref<1000x128xf32, #tpu.memory_space<vmem>>, vector<1000x128xf32>,
    %eq3A = arith.constant 0 : i32
    %eq3A_32 = arith.cmpi eq, %arg0, %eq3A : i32
    %convert_element_type3A = arith.extui %eq3A_32 : i1 to i32
    %cond3A = arith.constant 0 : i32
    %cond3A_33 = arith.cmpi ne, %convert_element_type3A, %cond3A : i32
    scf.if %cond3A_33 {
      %broadcast_in_dim3A_42 = arith.constant 0.000000e+00 : f32
      %broadcast_in_dim3A_43 = vector.broadcast %broadcast_in_dim3A_42 : f32 to vector<8x128xf32>
      %swap3A_44 = arith.constant 0 : index
      %swap3A_45 = arith.constant 0 : index
      %swap3A_46 = vector.load %arg6[%swap3A_44, %swap3A_45] : memref<8x128xf32, #tpu.memory_space<vmem>>, vector<8x128xf32>
      tpu.vector_store %arg6[%swap3A_44, %swap3A_45], %broadcast_in_dim3A_43 {strides = array<i32>} : memref<8x128xf32, #tpu.memory_space<vmem>>, vector<8x128xf32>,
    } else {
    }
    %get3A_34 = arith.constant 0 : index
    %get3A_35 = arith.constant 0 : index
    %get3A_36 = vector.load %arg6[%get3A_34, %get3A_35] : memref<8x128xf32, #tpu.memory_space<vmem>>, vector<1x128xf32>
    %reduce_sum3A = arith.constant dense<0.000000e+00> : vector<128xf32>
    %reduce_sum3A_37 = vector.multi_reduction <add>, %add3A_29, %reduce_sum3A [0] : vector<1000x128xf32> to vector<128xf32>
    %broadcast_in_dim3A = vector.shape_cast %reduce_sum3A_37 : vector<128xf32> to vector<1x128xf32>
    %add3A_38 = arith.addf %get3A_36, %broadcast_in_dim3A : vector<1x128xf32>
    %swap3A_39 = arith.constant 0 : index
    %swap3A_40 = arith.constant 0 : index
    %swap3A_41 = vector.load %arg6[%swap3A_39, %swap3A_40] : memref<8x128xf32, #tpu.memory_space<vmem>>, vector<1x128xf32>
    tpu.vector_store %arg6[%swap3A_39, %swap3A_40], %add3A_38 {strides = array<i32>} : memref<8x128xf32, #tpu.memory_space<vmem>>, vector<1x128xf32>,
    return
  }
  func.func @transform_0(%arg0: i32) -> (i32, i32) {
    %c0_i32 = arith.constant 0 : i32
    %c0_i32_0 = arith.constant 0 : i32
    return %arg0, %c0_i32 : i32, i32
  }
  func.func @transform_1(%arg0: i32) -> (i32, i32) {
    %c0_i32 = arith.constant 0 : i32
    %c0_i32_0 = arith.constant 0 : i32
    %c0_i32_1 = arith.constant 0 : i32
    return %c0_i32, %c0_i32_0 : i32, i32
  }
  func.func @transform_2(%arg0: i32) -> (i32, i32) {
    %c0_i32 = arith.constant 0 : i32
    %c0_i32_0 = arith.constant 0 : i32
    %c0_i32_1 = arith.constant 0 : i32
    return %c0_i32, %c0_i32_0 : i32, i32
  }
  func.func @transform_3(%arg0: i32) -> (i32, i32) {
    %c0_i32 = arith.constant 0 : i32
    %c0_i32_0 = arith.constant 0 : i32
    %c0_i32_1 = arith.constant 0 : i32
    return %c0_i32, %c0_i32_0 : i32, i32
  }
  func.func @transform_4(%arg0: i32) -> (i32, i32) {
    %c0_i32 = arith.constant 0 : i32
    %c0_i32_0 = arith.constant 0 : i32
    return %arg0, %c0_i32 : i32, i32
  }
  func.func @transform_5(%arg0: i32) -> (i32, i32) {
    %c0_i32 = arith.constant 0 : i32
    %c0_i32_0 = arith.constant 0 : i32
    %c0_i32_1 = arith.constant 0 : i32
    return %c0_i32, %c0_i32_0 : i32, i32
  }
}

</mosaic_0001>

<sc_bundles>
// kernel: kernel.14.cloned.1.call-start
scs
__scs_entry_jumppad:
0x0: {  	(pc) =	sbr.rel $0x88, $3  }
0x1: {  	(tag) =	ssettag $0x0;
	lr =	simm.s32 $0x1  }
0x2: {  	[smem:$0x3F91] =	sst lr;
	_ =	strace $0xD0000000  }
0x3: {  	_ = 	snop  }
0x4: {  	_ = 	snop  }
0x5: {  	_ = 	snop  }
0x6: {  	_ = 	snop  }
0x7: {  	_ = 	snop  }
__scs_overlays_trampoline_lowered:
0x8: {  	[smem:$0x3FA0] =	sst s0  }
0x9: {  	[smem:$0x3FA1] =	sst s1  }
0xa: {  	[smem:$0x3FA2] =	sst s2  }
0xb: {  	[smem:$0x3FA3] =	sst s3  }
0xc: {  	[smem:$0x3FA4] =	sst s4  }
0xd: {  	[smem:$0x3FA5] =	sst s5  }
0xe: {  	[smem:$0x3FA6] =	sst s6  }
0xf: {  	[smem:$0x3FA7] =	sst s7  }
0x10: {  	[smem:$0x3FA8] =	sst s8  }
0x11: {  	[smem:$0x3FA9] =	sst s9;
	s0 =	simm.s32 @!p0 $0x0  }
0x12: {  	s1 =	sld [smem:$0x3F8F];
	s0 =	simm.s32 @p0 $0x1  }
0x13: {  	[smem:$0x3FAA] =	sst s0;
	s0 =	simm.s32 @!p1 $0x0  }
0x14: {  	s2 =	sld [smem:$0x3F8E];
	s0 =	simm.s32 @p1 $0x1  }
0x15: {  	[smem:$0x3FAB] =	sst s0;
	s0 =	simm.s32 @!p2 $0x0  }
0x16: {  	s3 =	sld [smem:$0x3FDB];
	s0 =	simm.s32 @p2 $0x1  }
0x17: {  	s4 =	simm.s32 $0x1BF5;
	[smem:$0x3FAD] =	sst s0  }
0x18: {  	s0 =	sld [smem:$0x3F90];
	_ =	swait.ge [sflag:s4], $0x0  }
0x19: {  	s7 =	sld [smem:$0x3F91]  }
0x1a: {  	s8 =	sadd.s32 $0xFFFFE003, lr  }
0x1b: {  	s9 =	sadd.s32 $0xFFFFFEF7, lr;
	s5 =	simm.s32 $0xFFFFFFFF;
	p2 =	slt.u32 s8, $0xFFFFF086  }
0x1c: {  	p1 =	slt.u32 s9, $0xF7A;
	s5 =	simm.s32 @!p2 $0x0  }
0x1d: {  	s5 =	simm.s32 @p1 $0x1;
	p0 =	seq.s32 s7, s2  }
0x1e: {  	s7 =	smul.u32 @!p0 $0xF7A, s2;
	p2 =	seq.s32 @!p0 s5, $0x0  }
0x1f: {  	s9 =	smul.u32 $0xF7A, s1;
	s8 =	simm.s32 @!p0 $0x1BF5;
	p2 =	por !p2, p0  }
0x20: {  	[sflag:s8] =	ssyncset.s32 @!p0 $0xFFFFF086;
	s6 =	sadd.s32 @!p0 s3, s7;
	s7 =	simm.s32 @!p0 $0x108  }
0x21: {  	s3 =	sadd.s32 s3, s9;
	s6 =	sadd.s32 @!p0 $0x88, s6;
	s7 =	simm.s32 @p2 $0x1082  }
0x22: {  	[simem:s7], [sflag:s8] =	dma.local @!p0 [hbm:s6], $0xF7A  }
0x23: {  	s9 =	sor.u32 $0xD0000000, s2;
	s6 =	simm.s32 $0x108;
	_ =	swait.ge @!p0 [sflag:s8], $0x0  }
0x24: {  	s3 =	sadd.s32 $0x88, s3;
	s6 =	simm.s32 @!p1 $0x1082;
	[sflag:s4] =	ssyncset.s32 $0xFFFFF086  }
0x25: {  	[simem:s6], [sflag:s4] =	dma.local [hbm:s3], $0xF7A  }
0x26: {  	[smem:$0x3F91] =	sst s1;
	(tag) =	ssettag s2;
	_ =	strace s9  }
0x27: {  	s1 =	sld [smem:$0x3FA1]  }
0x28: {  	s2 =	sld [smem:$0x3FA2]  }
0x29: {  	s4 =	sld [smem:$0x3FA4]  }
0x2a: {  	p0 =	seq.s32 s5, $0x0;
	s5 =	sld [smem:$0x3FA5]  }
0x2b: {  	s6 =	sld [smem:$0x3FA6]  }
0x2c: {  	s7 =	sld [smem:$0x3FA7]  }
0x2d: {  	s3 =	simm.s32 $0x108;
	s8 =	sld [smem:$0x3FA8]  }
0x2e: {  	s3 =	simm.s32 @!p0 $0x1082;
	s9 =	sld [smem:$0x3FA9]  }
0x2f: {  	lr =	sadd.s32 s0, s3;
	s0 =	sld [smem:$0x3FA0]  }
0x30: {  	s3 =	sld [smem:$0x3FA3]  }
0x31: {  	[smem:$0x3FAC] =	sst s10  }
0x32: {  	s10 =	sld [smem:$0x3FAA];
	_ =	sdelay $0x3  }
0x33: {  	p0 =	seq.s32 s10, $0x1;
	s10 =	sld [smem:$0x3FAC];
	_ =	sdelay $0x3  }
0x34: {  	[smem:$0x3FAC] =	sst s10  }
0x35: {  	s10 =	sld [smem:$0x3FAB];
	_ =	sdelay $0x3  }
0x36: {  	p1 =	seq.s32 s10, $0x1;
	s10 =	sld [smem:$0x3FAC];
	_ =	sdelay $0x3  }
0x37: {  	[smem:$0x3FAC] =	sst s10  }
0x38: {  	s10 =	sld [smem:$0x3FAD]  }
0x39: {  	_ = 	snop;
	(pc) =	sbr.ind lr, $3  }
0x3a: {  	_ = 	snop  }
0x3b: {  	_ = 	snop  }
0x3c: {  	p2 =	seq.s32 s10, $0x1;
	s10 =	sld [smem:$0x3FAC]  }
0x3d: {  	_ =	shalt  }
0x3e: {  	_ =	shalt  }
0x3f: {  	_ =	shalt  }
0x40: {  	_ =	shalt  }
0x41: {  	_ =	shalt  }
0x42: {  	_ =	shalt  }
0x43: {  	_ =	shalt  }
0x44: {  	_ =	shalt  }
0x45: {  	_ =	shalt  }
0x46: {  	_ =	shalt  }
0x47: {  	_ =	shalt  }
0x48: {  	_ =	shalt  }
0x49: {  	_ =	shalt  }
0x4a: {  	_ =	shalt  }
0x4b: {  	_ =	shalt  }
0x4c: {  	_ =	shalt  }
0x4d: {  	_ =	shalt  }
0x4e: {  	_ =	shalt  }
0x4f: {  	_ =	shalt  }
0x50: {  	_ =	shalt  }
0x51: {  	_ =	shalt  }
0x52: {  	_ =	shalt  }
0x53: {  	_ =	shalt  }
0x54: {  	_ =	shalt  }
0x55: {  	_ =	shalt  }
0x56: {  	_ =	shalt  }
0x57: {  	_ =	shalt  }
0x58: {  	_ =	shalt  }
0x59: {  	_ =	shalt  }
0x5a: {  	_ =	shalt  }
0x5b: {  	_ =	shalt  }
0x5c: {  	_ =	shalt  }
0x5d: {  	_ =	shalt  }
0x5e: {  	_ =	shalt  }
0x5f: {  	_ =	shalt  }
0x60: {  	_ =	shalt  }
0x61: {  	_ =	shalt  }
0x62: {  	_ =	shalt  }
0x63: {  	_ =	shalt  }
0x64: {  	_ =	shalt  }
0x65: {  	_ =	shalt  }
0x66: {  	_ =	shalt  }
0x67: {  	_ =	shalt  }
0x68: {  	_ =	shalt  }
0x69: {  	_ =	shalt  }
0x6a: {  	_ =	shalt  }
0x6b: {  	_ =	shalt  }
0x6c: {  	_ =	shalt  }
0x6d: {  	_ =	shalt  }
0x6e: {  	_ =	shalt  }
0x6f: {  	_ =	shalt  }
0x70: {  	_ =	shalt  }
0x71: {  	_ =	shalt  }
0x72: {  	_ =	shalt  }
0x73: {  	_ =	shalt  }
0x74: {  	_ =	shalt  }
0x75: {  	_ =	shalt  }
0x76: {  	_ =	shalt  }
0x77: {  	_ =	shalt  }
0x78: {  	_ =	shalt  }
0x79: {  	_ =	shalt  }
0x7a: {  	_ =	shalt  }
0x7b: {  	_ =	shalt  }
0x7c: {  	_ =	shalt  }
0x7d: {  	_ =	shalt  }
0x7e: {  	_ =	shalt  }
0x7f: {  	_ =	shalt  }
0x80: {  	_ =	shalt  }
0x81: {  	_ =	shalt  }
0x82: {  	_ =	shalt  }
0x83: {  	_ =	shalt  }
0x84: {  	_ =	shalt  }
0x85: {  	_ =	shalt  }
0x86: {  	_ =	shalt  }
0x87: {  	_ =	shalt  }
.Lfunc_end0:
.L_simem_size_0:
called_computation_lowered:
.L_overlay_start_0:
0x88: {  	s2 =	sld [smem:$0x3FD9]  }
0x89: {  	s3 =	sld [smem:$0x3FFE];
	_ =	sdelay $0x1  }
0x8a: {  	s1 =	srdreg.scid  }
0x8b: {  	s0 =	sand.u32 $0x1, s1  }
0x8c: {  	s17 =	sshll.u32 s0, $0xA;
	s2 =	sadd.s32 s3, s2  }
0x8d: {  	s2 =	sadd.s32 s2, s17  }
0x8e: {  	[smem:$0x3FB8] =	sst s2  }
0x8f: {  	_ = 	snop  }
0x90: {  	s18 =	sld [smem:$0x3FD0];
	(tm) =	ssettm $0x1  }
0x91: {  	s19 =	sld [smem:$0x3FFB];
	_ =	sdelay $0x3  }
0x92: {  	_ =	strace s19  }
0x93: {  	s2 =	sld [smem:$0x3FFC];
	_ =	sdelay $0x3  }
0x94: {  	_ =	strace s2  }
0x95: {  	s2 =	sld [smem:$0x3FFD];
	_ =	sdelay $0x3  }
0x96: {  	_ =	strace s2  }
0x97: {  	_ =	strace $0x8FFFFFFF  }
0x98: {  	s20 =	sld [smem:$0x3FDB];
	_ =	sdelay $0x1  }
0x99: {  	s4 =	simm.s32 $_scs_section_size  }
0x9a: {  	s5 =	simm.s32 $_size__tile_overlayer_lowered;
	s6 =	simm.s32 $_tile_overlayer_lowered  }
0x9b: {  	s7 =	simm.s32 $0x1BFF;
	s21 =	sshll.u32 s6, $0x1;
	s4 =	sadd.s32 s4, s20  }
0x9c: {  	s22 =	simm.s32 $0x0;
	s5 =	sshll.u32 s5, $0x1;
	s6 =	sadd.s32 s21, s4  }
0x9d: {  	[timem:s22], [sflag:s7] =	dma.local [hbm:s6], s5  }
0x9e: {  	_ =	swait.ge [sflag:s7], s5  }
0x9f: {  	s5 =	ssub.s32 $0x0, s5;
	[sflag:s7] =	ssyncset.done $0x0  }
0xa0: {  	[sflag:s7] =	ssyncadd.s32 s5;
	_ =	sdelay $0x1  }
0xa1: {  	s23 =	simm.s32 $0x1B8B  }
0xa2: {  	_ =	swait.ge [sflag:s23], $0x1  }
0xa3: {  	[sflag:s23] =	ssyncset.done $0x0  }
0xa4: {  	[sflag:s23] =	ssyncadd.s32 $0xFFFFFFFF  }
0xa5: {  	s5 =	sld [smem:$0x0]  }
0xa6: {  	s6 =	sand.u32 $0xFFFFFFFE, s1  }
0xa7: {  	p0 =	sne.s32 s1, s6  }
0xa8: {  	s6 =	sshll.u32 @p0 s6, $0xE  }
0xa9: {  	s6 =	sadd.s32 @p0 $0x11B8D, s6;
	s7 =	sshll.u32 @p0 s5, $0x11  }
0xaa: {  	s6 =	sor.u32 @p0 s7, s6  }
0xab: {  	[sflag:s6] =	ssyncadd.remote.s32 @p0 $0x1;
	_ =	sdelay $0x1  }
0xac: {  	s6 =	simm.s32 @p0 $0x1B8D  }
0xad: {  	_ =	swait.eq @p0 [sflag:s6], $0x1  }
0xae: {  	[sflag:s6] =	ssyncadd.s32 @p0 $0xFFFFFFFF  }
0xaf: {  	s7 =	sshll.u32 @!p0 s1, $0xE  }
0xb0: {  	s7 =	sor.u32 @!p0 $0x4000, s7;
	s6 =	simm.s32 @!p0 $0x1B8D  }
0xb1: {  	s5 =	sshll.u32 @!p0 s5, $0x11;
	s7 =	sadd.s32 @!p0 $0x11B8D, s7;
	_ =	swait.eq @!p0 [sflag:s6], $0x1  }
0xb2: {  	s5 =	sor.u32 @!p0 s5, s7;
	[sflag:s6] =	ssyncadd.s32 @!p0 $0xFFFFFFFF  }
0xb3: {  	s25 =	simm.s32 $0x1B8E;
	s24 =	sld [smem:$0x3FFE];
	[sflag:s5] =	ssyncadd.remote.s32 @!p0 $0x1  }
0xb4: {  	s26 =	simm.s32 $execute0_lowered;
	[smem:$0x3FD2] =	sst s25  }
0xb5: {  	s6 =	sshll.u32 s26, $0x1;
	_ =	strace $0x80000049;
	[dreg:$0x1] =	wrdreg $0xFFFFFFFF  }
0xb6: {  	s28 =	simm.s32 $_size_execute0_lowered;
	s4 =	sadd.s32 s4, s6;
	[dreg:$0x0] =	wrdreg $0x0  }
0xb7: {  	s6 =	sshll.u32 s28, $0x1;
	[dreg:$0x2] =	wrdreg s4  }
0xb8: {  	[dreg:$0x3] =	wrdreg s6  }
0xb9: {  	[dreg:$0x4] =	wrdreg $0xC0  }
0xba: {  	_ =	task [dreg:s22], $0x5FFFF  }
0xbb: {  	[dreg:$0x1] =	wrdreg $0xFFFFFFFF  }
0xbc: {  	[dreg:$0x0] =	wrdreg $0x60  }
0xbd: {  	[dreg:$0x2] =	wrdreg s18  }
0xbe: {  	[dreg:$0x3] =	wrdreg s24  }
0xbf: {  	[dreg:$0x4] =	wrdreg $0x68000  }
0xc0: {  	[dreg:$0x5] =	wrdreg $0x9  }
0xc1: {  	_ =	task.clear_ibuf [dreg:s22], $0x6FFFF;
	_ =	strace $0x90000049  }
0xc2: {  	s29 =	simm.s32 $0x9;
	_ =	strace $0x8000004B  }
0xc3: {  	_ =	swait.ge [sflag:s29], $0x1  }
0xc4: {  	[sflag:s29] =	ssyncadd.s32 $0xFFFFFFFF  }
0xc5: {  	_ =	strace $0x9000004B  }
0xc6: {  	_ =	sfence  }
0xc7: {  	s30 =	sld [smem:$0x0];
	_ =	sdelay $0x2  }
0xc8: {  	s31 =	sshll.u32 s1, $0xD;
	s1 =	sshrl.u32 s1, $0x2  }
0xc9: {  	s4 =	sand.u32 $0x4000, s31;
	s1 =	sadd.s32 s1, s30  }
0xca: {  	s0 =	sor.u32 s4, s0;
	s1 =	sshll.u32 s1, $0x11  }
0xcb: {  	s0 =	sor.u32 s1, s0  }
0xcc: {  	s0 =	sadd.s32 $0x8F2B, s0  }
0xcd: {  	[sflag:s0] =	ssyncadd.remote.s32 $0x1  }
0xce: {  	_ =	sfence.sel $0xFFFF  }
0xcf: {  	[dreg:$0x0] =	wrdreg $0xFFFFFFFF;
	(pc) =	sbr.abs _section_cstart, $3  }
0xd0: {  	[dreg:$0x1] =	wrdreg $0xFFFFFFFF  }
0xd1: {  	_ =	task.clear_ibuf [dreg:s22], $0x2FFFF;
	_ =	strace $0x9FFFFFFF  }
0xd2: {  	(tm) =	ssettm $0x7FFFFFFF  }
0xd3: {  	_ =	shalt  }
tec
execute0_lowered:
.L_overlay_start_1:
0x0: {  	(tag) =	ssettag $0x1  }
0x1: {  	s1 =	rddreg [dreg:$0x0]  }
0x2: {  	s2 =	srdreg.scid;
	s6 =	rddreg [dreg:$0x1]  }
0x3: {  	s0 =	stileid.u32;
	s3 =	rddreg [dreg:$0x2];
	s4 =	simm.s32 $0x0  }
0x4: {  	s15 =	simm.s32 $0x80;
	s16 =	simm.s32 $0x0;
	s7 =	sand.u32 $0x1, s2  }
0x5: {  	s26 =	sshll.u32 s0, $0x1;
	s2 =	rddreg [dreg:$0x3];
	s9 =	smul.u32 $0x4E000, s0  }
0x6: {  	[smem:$0x7FF] =	sst s4;
	s11 =	sadd.s32 $0x69A00, s6;
	s12 =	smul.u32 $0x13800, s0  }
0x7: {  	p0 =	seq.s32 s0, $0xF;
	s5 =	sor.u32 s7, s26;
	_ =	strace $0x8000004A  }
0x8: {  	s10 =	ssub.s32 $0x2, s7;
	s7 =	smul.u32 $0x139000, s7;
	s13 =	sshll.u32 @!p0 s0, $0x6  }
0x9: {  	s5 =	smul.u32 $0x500, s5;
	s28 =	sshrl.u32 s10, $0x1;
	s29 =	sshrl.u32 s9, $0x2  }
0xa: {  	s13 =	sor.u32 @!p0 $0x1C01, s13;
	s10 =	ssub.s32 s10, s28;
	s14 =	sadd.s32 s29, s3  }
0xb: {  	s30 =	sadd.s32 s12, s7;
	s7 =	sshrl.u32 s7, $0x3;
	s12 =	sadd.s32 $0x124800, s3  }
0xc: {  	s8 =	sadd.s32 s5, s6;
	s5 =	sadd.s32 $0x18C00, s6;
	s31 =	sadd.s32 s11, s7  }
0xd: {  	s9 =	smax.u32 s10, $0x1;
	s10 =	simm.s32 $0x2800;
	s12 =	sshrl.u32 @p0 s12, $0x3  }
0xe: {  	s14 =	sshrl.u32 @!p0 s14, $0x3;
	s6 =	sadd.s32 $0x4C00, s8;
	s8 =	sshrl.u32 s30, $0x3  }
0xf: {  	s7 =	sadd.s32 s11, s8;
	s8 =	sadd.s32 $0x24900, s31;
	s11 =	simm.s32 $0x1  }
.LBB2_1:
0x10: {  	[tilespmem:s10], [sflag:$0x1] =	stream.linear.gather [hbm4b:s1+s4], $0x4000, $0x38;
	[tilespmem:$0x1A100] =	vst v63  }
0x11: {  	_ =	swait.ge [sflag:s11], $0x4000  }
0x12: {  	[sflag:s11] =	ssyncset.done $0x0  }
0x13: {  	[sflag:s11] =	ssyncadd.s32 $0xFFFFC000  }
0x14: {  	[tilespmem:s4], [sflag:$0x1] =	stream.linear.gather [hbm4b:s6+s4], $0x2780, $0x38;
	[tilespmem:$0x1A100] =	vst v63  }
0x15: {  	_ =	swait.ge [sflag:s11], $0x2780  }
0x16: {  	[sflag:s11] =	ssyncset.done $0x0  }
0x17: {  	s17 =	simm.s32 @p0 $0x1FC1;
	[sflag:s11] =	ssyncadd.s32 $0xFFFFD880  }
0x18: {  	[spmem:s12], [sflag:s17] =	dma.local @p0 [hbm:s5], $0x2900  }
0x19: {  	s17 =	simm.s32 @p0 $0x1  }
0x1a: {  	_ =	swait.ge @p0 [sflag:s17], $0x2900  }
0x1b: {  	[sflag:s17] =	ssyncset.done @p0 $0x0  }
0x1c: {  	[sflag:s17] =	ssyncadd.s32 @p0 $0xFFFFD700;
	s17 =	simm.s32 @!p0 $0x1  }
0x1d: {  	[spmem:s14], [sflag:s13] =	dma.local @!p0 [hbm:s5], $0x2700  }
0x1e: {  	_ =	swait.ge @!p0 [sflag:s17], $0x2700  }
0x1f: {  	[sflag:s17] =	ssyncset.done @!p0 $0x0  }
0x20: {  	[sflag:s17] =	ssyncadd.s32 @!p0 $0xFFFFD900  }
0x21: {  	s31 =	simm.s32 $0x0;
	[bflag:$0x0] =	sbarrier.arrive $0xFFFF  }
0x22: {  	[spmem:s3] =	stream.indirect.scatter.add.f32 [tilespmem:s10], [sflag:$0x1], $0x80, s31, s15, $0xb8;
	[tilespmem:$0x1A100] =	vst v63  }
0x23: {  	_ =	swait.ge [sflag:s11], $0x4000  }
0x24: {  	s17 =	simm.s32 $0x200;
	[sflag:s11] =	ssyncset.done $0x0  }
.LBB2_2:
0x25: {  	s18 =	sshra.s32 s17, $0x2;
	[sflag:s11] =	ssyncadd.s32 $0xFFFFC000;
	p1 =	sne.s32 s17, $0x9C00  }
0x26: {  	[spmem:s3] =	stream.indirect.scatter.add.f32 [tilespmem:s10], [sflag:$0x1], $0x80, s18, s15, $0xb8;
	[tilespmem:$0x1A100] =	vst v63  }
.Ltmp0:
0x27: {  	_ = 	snop;
	(pc) =	sbr.rel @p1 .LBB2_2-.Ltmp0, $4  }
0x28: {  	_ = 	snop  }
0x29: {  	s17 =	sadd.s32 $0x200, s17  }
0x2a: {  	_ =	swait.ge [sflag:s11], $0x4000  }
0x2b: {  	[sflag:s11] =	ssyncset.done $0x0  }
0x2c: {  	[sflag:s11] =	ssyncadd.s32 $0xFFFFC000  }
0x2d: {  	s17 =	simm.s32 @p0 $0x1FC1;
	[bflag:$0x0] =	sbarrier.arrive $0xFFFF  }
0x2e: {  	[hbm:s8], [sflag:s17] =	dma.local @p0 [spmem:s12], $0x2900  }
0x2f: {  	s17 =	simm.s32 @p0 $0x1  }
0x30: {  	s16 =	sadd.s32 $0x1, s16;
	_ =	swait.ge @p0 [sflag:s17], $0x2900  }
0x31: {  	p1 =	sne.s32 s16, s9;
	[sflag:s17] =	ssyncset.done @p0 $0x0  }
.Ltmp1:
0x32: {  	[sflag:s17] =	ssyncadd.s32 @p0 $0xFFFFD700;
	s17 =	simm.s32 @!p0 $0x1;
	(pc) =	sbr.rel @p1 .LBB2_1-.Ltmp1, $4  }
0x33: {  	[hbm:s7], [sflag:s13] =	dma.local @!p0 [spmem:s14], $0x2700  }
0x34: {  	_ =	swait.ge @!p0 [sflag:s17], $0x2700  }
0x35: {  	[sflag:s17] =	ssyncset.done @!p0 $0x0  }
0x36: {  	[sflag:s17] =	ssyncadd.s32 @!p0 $0xFFFFD900  }
0x37: {  	_ =	sfence.sel $0x180000  }
0x38: {  	[bflag:$0x0] =	sbarrier.arrive $0xFFFF  }
0x39: {  	p0 =	sne.s32 s0, $0x0;
	_ =	strace $0x9000004A  }
0x3a: {  	s0 =	sadd.s32 @!p0 $0x100000, s2;
	[bflag:$0x2] =	sbarrier.arrive $0xFFFF  }
0x3b: {  	[sflag:s0] =	ssyncadd.tile.s32 @!p0 $0x1;
	_ =	shalt  }
.Lfunc_end2:
_tile_overlayer_lowered:
.L_overlay_start_2:
0x3c: {  	(tag) =	ssettag $0x2  }
0x3d: {  	s0 =	rddreg [dreg:$0x0];
	s2 =	stileid.u32  }
0x3e: {  	s1 =	rddreg [dreg:$0x1];
	p0 =	sne.s32 s2, $0x0  }
0x3f: {  	s3 =	rddreg [dreg:$0x2];
	[bflag:$0x3] =	sbarrier.arrive $0xFFFF;
	s2 =	simm.s32 @!p0 $0x1C01  }
0x40: {  	[timem:s3], [sflag:s2] =	dma.local @!p0 [hbm:s0], s1  }
0x41: {  	s0 =	simm.s32 @!p0 $0x1  }
0x42: {  	_ =	swait.ge @!p0 [sflag:s0], s1  }
0x43: {  	s1 =	ssub.s32 @!p0 $0x0, s1;
	[sflag:s0] =	ssyncset.done @!p0 $0x0  }
0x44: {  	[sflag:s0] =	ssyncadd.s32 @!p0 s1  }
0x45: {  	[bflag:$0x3] =	sbarrier.arrive $0xFFFF  }
0x46: {  	_ =	shalt  }

// kernel: kernel.17.cloned.1.call-start
scs
__scs_entry_jumppad:
0x0: {  	(pc) =	sbr.rel $0x88, $3  }
0x1: {  	(tag) =	ssettag $0x0;
	lr =	simm.s32 $0x1  }
0x2: {  	[smem:$0x3F91] =	sst lr;
	_ =	strace $0xD0000000  }
0x3: {  	_ = 	snop  }
0x4: {  	_ = 	snop  }
0x5: {  	_ = 	snop  }
0x6: {  	_ = 	snop  }
0x7: {  	_ = 	snop  }
__scs_overlays_trampoline_lowered:
0x8: {  	[smem:$0x3FA0] =	sst s0  }
0x9: {  	[smem:$0x3FA1] =	sst s1  }
0xa: {  	[smem:$0x3FA2] =	sst s2  }
0xb: {  	[smem:$0x3FA3] =	sst s3  }
0xc: {  	[smem:$0x3FA4] =	sst s4  }
0xd: {  	[smem:$0x3FA5] =	sst s5  }
0xe: {  	[smem:$0x3FA6] =	sst s6  }
0xf: {  	[smem:$0x3FA7] =	sst s7  }
0x10: {  	[smem:$0x3FA8] =	sst s8  }
0x11: {  	[smem:$0x3FA9] =	sst s9;
	s0 =	simm.s32 @!p0 $0x0  }
0x12: {  	s1 =	sld [smem:$0x3F8F];
	s0 =	simm.s32 @p0 $0x1  }
0x13: {  	[smem:$0x3FAA] =	sst s0;
	s0 =	simm.s32 @!p1 $0x0  }
0x14: {  	s2 =	sld [smem:$0x3F8E];
	s0 =	simm.s32 @p1 $0x1  }
0x15: {  	[smem:$0x3FAB] =	sst s0;
	s0 =	simm.s32 @!p2 $0x0  }
0x16: {  	s3 =	sld [smem:$0x3FDB];
	s0 =	simm.s32 @p2 $0x1  }
0x17: {  	s4 =	simm.s32 $0x1BF5;
	[smem:$0x3FAD] =	sst s0  }
0x18: {  	s0 =	sld [smem:$0x3F90];
	_ =	swait.ge [sflag:s4], $0x0  }
0x19: {  	s7 =	sld [smem:$0x3F91]  }
0x1a: {  	s8 =	sadd.s32 $0xFFFFE003, lr  }
0x1b: {  	s9 =	sadd.s32 $0xFFFFFEF7, lr;
	s5 =	simm.s32 $0xFFFFFFFF;
	p2 =	slt.u32 s8, $0xFFFFF086  }
0x1c: {  	p1 =	slt.u32 s9, $0xF7A;
	s5 =	simm.s32 @!p2 $0x0  }
0x1d: {  	s5 =	simm.s32 @p1 $0x1;
	p0 =	seq.s32 s7, s2  }
0x1e: {  	s7 =	smul.u32 @!p0 $0xF7A, s2;
	p2 =	seq.s32 @!p0 s5, $0x0  }
0x1f: {  	s9 =	smul.u32 $0xF7A, s1;
	s8 =	simm.s32 @!p0 $0x1BF5;
	p2 =	por !p2, p0  }
0x20: {  	[sflag:s8] =	ssyncset.s32 @!p0 $0xFFFFF086;
	s6 =	sadd.s32 @!p0 s3, s7;
	s7 =	simm.s32 @!p0 $0x108  }
0x21: {  	s3 =	sadd.s32 s3, s9;
	s6 =	sadd.s32 @!p0 $0x88, s6;
	s7 =	simm.s32 @p2 $0x1082  }
0x22: {  	[simem:s7], [sflag:s8] =	dma.local @!p0 [hbm:s6], $0xF7A  }
0x23: {  	s9 =	sor.u32 $0xD0000000, s2;
	s6 =	simm.s32 $0x108;
	_ =	swait.ge @!p0 [sflag:s8], $0x0  }
0x24: {  	s3 =	sadd.s32 $0x88, s3;
	s6 =	simm.s32 @!p1 $0x1082;
	[sflag:s4] =	ssyncset.s32 $0xFFFFF086  }
0x25: {  	[simem:s6], [sflag:s4] =	dma.local [hbm:s3], $0xF7A  }
0x26: {  	[smem:$0x3F91] =	sst s1;
	(tag) =	ssettag s2;
	_ =	strace s9  }
0x27: {  	s1 =	sld [smem:$0x3FA1]  }
0x28: {  	s2 =	sld [smem:$0x3FA2]  }
0x29: {  	s4 =	sld [smem:$0x3FA4]  }
0x2a: {  	p0 =	seq.s32 s5, $0x0;
	s5 =	sld [smem:$0x3FA5]  }
0x2b: {  	s6 =	sld [smem:$0x3FA6]  }
0x2c: {  	s7 =	sld [smem:$0x3FA7]  }
0x2d: {  	s3 =	simm.s32 $0x108;
	s8 =	sld [smem:$0x3FA8]  }
0x2e: {  	s3 =	simm.s32 @!p0 $0x1082;
	s9 =	sld [smem:$0x3FA9]  }
0x2f: {  	lr =	sadd.s32 s0, s3;
	s0 =	sld [smem:$0x3FA0]  }
0x30: {  	s3 =	sld [smem:$0x3FA3]  }
0x31: {  	[smem:$0x3FAC] =	sst s10  }
0x32: {  	s10 =	sld [smem:$0x3FAA];
	_ =	sdelay $0x3  }
0x33: {  	p0 =	seq.s32 s10, $0x1;
	s10 =	sld [smem:$0x3FAC];
	_ =	sdelay $0x3  }
0x34: {  	[smem:$0x3FAC] =	sst s10  }
0x35: {  	s10 =	sld [smem:$0x3FAB];
	_ =	sdelay $0x3  }
0x36: {  	p1 =	seq.s32 s10, $0x1;
	s10 =	sld [smem:$0x3FAC];
	_ =	sdelay $0x3  }
0x37: {  	[smem:$0x3FAC] =	sst s10  }
0x38: {  	s10 =	sld [smem:$0x3FAD]  }
0x39: {  	_ = 	snop;
	(pc) =	sbr.ind lr, $3  }
0x3a: {  	_ = 	snop  }
0x3b: {  	_ = 	snop  }
0x3c: {  	p2 =	seq.s32 s10, $0x1;
	s10 =	sld [smem:$0x3FAC]  }
0x3d: {  	_ =	shalt  }
0x3e: {  	_ =	shalt  }
0x3f: {  	_ =	shalt  }
0x40: {  	_ =	shalt  }
0x41: {  	_ =	shalt  }
0x42: {  	_ =	shalt  }
0x43: {  	_ =	shalt  }
0x44: {  	_ =	shalt  }
0x45: {  	_ =	shalt  }
0x46: {  	_ =	shalt  }
0x47: {  	_ =	shalt  }
0x48: {  	_ =	shalt  }
0x49: {  	_ =	shalt  }
0x4a: {  	_ =	shalt  }
0x4b: {  	_ =	shalt  }
0x4c: {  	_ =	shalt  }
0x4d: {  	_ =	shalt  }
0x4e: {  	_ =	shalt  }
0x4f: {  	_ =	shalt  }
0x50: {  	_ =	shalt  }
0x51: {  	_ =	shalt  }
0x52: {  	_ =	shalt  }
0x53: {  	_ =	shalt  }
0x54: {  	_ =	shalt  }
0x55: {  	_ =	shalt  }
0x56: {  	_ =	shalt  }
0x57: {  	_ =	shalt  }
0x58: {  	_ =	shalt  }
0x59: {  	_ =	shalt  }
0x5a: {  	_ =	shalt  }
0x5b: {  	_ =	shalt  }
0x5c: {  	_ =	shalt  }
0x5d: {  	_ =	shalt  }
0x5e: {  	_ =	shalt  }
0x5f: {  	_ =	shalt  }
0x60: {  	_ =	shalt  }
0x61: {  	_ =	shalt  }
0x62: {  	_ =	shalt  }
0x63: {  	_ =	shalt  }
0x64: {  	_ =	shalt  }
0x65: {  	_ =	shalt  }
0x66: {  	_ =	shalt  }
0x67: {  	_ =	shalt  }
0x68: {  	_ =	shalt  }
0x69: {  	_ =	shalt  }
0x6a: {  	_ =	shalt  }
0x6b: {  	_ =	shalt  }
0x6c: {  	_ =	shalt  }
0x6d: {  	_ =	shalt  }
0x6e: {  	_ =	shalt  }
0x6f: {  	_ =	shalt  }
0x70: {  	_ =	shalt  }
0x71: {  	_ =	shalt  }
0x72: {  	_ =	shalt  }
0x73: {  	_ =	shalt  }
0x74: {  	_ =	shalt  }
0x75: {  	_ =	shalt  }
0x76: {  	_ =	shalt  }
0x77: {  	_ =	shalt  }
0x78: {  	_ =	shalt  }
0x79: {  	_ =	shalt  }
0x7a: {  	_ =	shalt  }
0x7b: {  	_ =	shalt  }
0x7c: {  	_ =	shalt  }
0x7d: {  	_ =	shalt  }
0x7e: {  	_ =	shalt  }
0x7f: {  	_ =	shalt  }
0x80: {  	_ =	shalt  }
0x81: {  	_ =	shalt  }
0x82: {  	_ =	shalt  }
0x83: {  	_ =	shalt  }
0x84: {  	_ =	shalt  }
0x85: {  	_ =	shalt  }
0x86: {  	_ =	shalt  }
0x87: {  	_ =	shalt  }
.Lfunc_end0:
.L_simem_size_0:
called_computation.1_lowered:
.L_overlay_start_0:
0x88: {  	s2 =	sld [smem:$0x3FD9]  }
0x89: {  	s3 =	sld [smem:$0x3FFE];
	_ =	sdelay $0x1  }
0x8a: {  	s1 =	srdreg.scid  }
0x8b: {  	s0 =	sand.u32 $0x1, s1  }
0x8c: {  	s17 =	sshll.u32 s0, $0xA;
	s2 =	sadd.s32 s3, s2  }
0x8d: {  	s2 =	sadd.s32 s2, s17  }
0x8e: {  	[smem:$0x3FB8] =	sst s2  }
0x8f: {  	_ = 	snop  }
0x90: {  	s2 =	sld [smem:$0x3FC9];
	(tm) =	ssettm $0x1  }
0x91: {  	s18 =	sld [smem:$0x3FFB];
	_ =	sdelay $0x3  }
0x92: {  	_ =	strace s18  }
0x93: {  	s3 =	sld [smem:$0x3FFC];
	_ =	sdelay $0x3  }
0x94: {  	_ =	strace s3  }
0x95: {  	s3 =	sld [smem:$0x3FFD];
	_ =	sdelay $0x3  }
0x96: {  	_ =	strace s3  }
0x97: {  	_ =	strace $0x8FFFFFFF  }
0x98: {  	s19 =	sld [smem:$0x3FDB];
	_ =	sdelay $0x1  }
0x99: {  	s4 =	simm.s32 $_scs_section_size  }
0x9a: {  	s5 =	simm.s32 $_size__tile_overlayer_lowered;
	s6 =	simm.s32 $_tile_overlayer_lowered  }
0x9b: {  	s22 =	simm.s32 $0x1BFF;
	s21 =	sshll.u32 s6, $0x1;
	s3 =	sadd.s32 s4, s19  }
0x9c: {  	s7 =	simm.s32 $0x0;
	s20 =	sshll.u32 s5, $0x1;
	s5 =	sadd.s32 s21, s3  }
0x9d: {  	[timem:s7], [sflag:s22] =	dma.local [hbm:s5], s20  }
0x9e: {  	_ =	swait.ge [sflag:s22], s20  }
0x9f: {  	s4 =	ssub.s32 $0x0, s20;
	[sflag:s22] =	ssyncset.done $0x0  }
0xa0: {  	[sflag:s22] =	ssyncadd.s32 s4;
	_ =	sdelay $0x1  }
0xa1: {  	s23 =	simm.s32 $0x1B8B  }
0xa2: {  	_ =	swait.ge [sflag:s23], $0x1  }
0xa3: {  	[sflag:s23] =	ssyncset.done $0x0  }
0xa4: {  	s25 =	simm.s32 $0x1B8E;
	s24 =	sld [smem:$0x3FFE];
	[sflag:s23] =	ssyncadd.s32 $0xFFFFFFFF  }
0xa5: {  	s26 =	simm.s32 $execute0_lowered;
	[smem:$0x3FD2] =	sst s25  }
0xa6: {  	s5 =	sshll.u32 s26, $0x1;
	_ =	strace $0x80000046;
	[dreg:$0x1] =	wrdreg $0xFFFFFFFF  }
0xa7: {  	s28 =	simm.s32 $_size_execute0_lowered;
	s3 =	sadd.s32 s3, s5;
	[dreg:$0x0] =	wrdreg $0x0  }
0xa8: {  	s5 =	sshll.u32 s28, $0x1;
	[dreg:$0x2] =	wrdreg s3  }
0xa9: {  	[dreg:$0x3] =	wrdreg s5  }
0xaa: {  	[dreg:$0x4] =	wrdreg $0xC0  }
0xab: {  	_ =	task [dreg:s7], $0x5FFFF  }
0xac: {  	[dreg:$0x1] =	wrdreg $0xFFFFFFFF  }
0xad: {  	[dreg:$0x0] =	wrdreg $0x60  }
0xae: {  	[dreg:$0x2] =	wrdreg s2  }
0xaf: {  	[dreg:$0x3] =	wrdreg s24  }
0xb0: {  	[dreg:$0x4] =	wrdreg $0x90000  }
0xb1: {  	[dreg:$0x5] =	wrdreg $0xA  }
0xb2: {  	_ =	task.clear_ibuf [dreg:s7], $0x6FFFF;
	_ =	strace $0x90000046  }
0xb3: {  	s29 =	simm.s32 $0xA;
	_ =	strace $0x80000048  }
0xb4: {  	_ =	swait.ge [sflag:s29], $0x1  }
0xb5: {  	[sflag:s29] =	ssyncadd.s32 $0xFFFFFFFF  }
0xb6: {  	_ =	strace $0x90000048  }
0xb7: {  	_ =	sfence  }
0xb8: {  	s30 =	sld [smem:$0x0];
	_ =	sdelay $0x2  }
0xb9: {  	s31 =	sshll.u32 s1, $0xD;
	s1 =	sshrl.u32 s1, $0x2  }
0xba: {  	s3 =	sand.u32 $0x4000, s31;
	s1 =	sadd.s32 s1, s30  }
0xbb: {  	s0 =	sor.u32 s3, s0;
	s1 =	sshll.u32 s1, $0x11  }
0xbc: {  	s0 =	sor.u32 s1, s0  }
0xbd: {  	s0 =	sadd.s32 $0x8F2B, s0  }
0xbe: {  	[sflag:s0] =	ssyncadd.remote.s32 $0x1  }
0xbf: {  	_ =	sfence.sel $0xFFFF  }
0xc0: {  	[dreg:$0x0] =	wrdreg $0xFFFFFFFF;
	(pc) =	sbr.abs _section_cstart, $3  }
0xc1: {  	[dreg:$0x1] =	wrdreg $0xFFFFFFFF  }
0xc2: {  	_ =	task.clear_ibuf [dreg:s7], $0x2FFFF;
	_ =	strace $0x9FFFFFFF  }
0xc3: {  	(tm) =	ssettm $0x7FFFFFFF  }
tec
execute0_lowered:
.L_overlay_start_1:
0x0: {  	(tag) =	ssettag $0x1  }
0x1: {  	s1 =	rddreg [dreg:$0x0]  }
0x2: {  	s2 =	srdreg.scid;
	s6 =	rddreg [dreg:$0x1]  }
0x3: {  	s0 =	stileid.u32;
	s3 =	rddreg [dreg:$0x2];
	s4 =	simm.s32 $0x0  }
0x4: {  	s16 =	simm.s32 $0x80;
	s17 =	simm.s32 $0x5000;
	s18 =	simm.s32 $0x1  }
0x5: {  	s19 =	simm.s32 $0x0;
	s7 =	sand.u32 $0x1, s2;
	s2 =	rddreg [dreg:$0x3]  }
0x6: {  	s25 =	sshll.u32 s0, $0x1;
	[smem:$0x7FF] =	sst s4;
	s9 =	smul.u32 $0x4E000, s0  }
0x7: {  	s12 =	sadd.s32 $0x1B600, s6;
	s13 =	smul.u32 $0x13800, s0;
	p0 =	seq.s32 s0, $0xF  }
0x8: {  	s5 =	sor.u32 s7, s25;
	_ =	strace $0x80000047;
	s11 =	smul.u32 $0x139000, s7  }
0x9: {  	s10 =	ssub.s32 $0x2, s7;
	s14 =	sshll.u32 @!p0 s0, $0x6;
	s5 =	smul.u32 $0x500, s5  }
0xa: {  	s26 =	sshrl.u32 s10, $0x1;
	s28 =	sshrl.u32 s9, $0x2;
	s14 =	sor.u32 @!p0 $0x1C02, s14  }
0xb: {  	s10 =	ssub.s32 s10, s26;
	s29 =	sadd.s32 s13, s11;
	s11 =	sshrl.u32 s11, $0x3  }
0xc: {  	s15 =	sadd.s32 s28, s3;
	s13 =	sadd.s32 $0x124800, s3;
	s8 =	sadd.s32 s5, s6  }
0xd: {  	s5 =	sadd.s32 $0x18C00, s6;
	s30 =	sshrl.u32 s29, $0x3;
	s31 =	sadd.s32 s12, s11  }
0xe: {  	s10 =	smax.u32 s10, $0x1;
	s11 =	simm.s32 $0x2;
	s13 =	sshrl.u32 @p0 s13, $0x3  }
0xf: {  	s15 =	sshrl.u32 @!p0 s15, $0x3;
	s6 =	sadd.s32 $0xEC00, s8;
	s7 =	sadd.s32 $0x4C00, s8  }
0x10: {  	s8 =	sadd.s32 s12, s30;
	s9 =	sadd.s32 $0x24900, s31;
	s12 =	simm.s32 $0x2800  }
.LBB2_1:
0x11: {  	[tilespmem:s4], [sflag:$0x2] =	stream.linear.gather [hbm4b:s6+s4], $0x2780, $0x38;
	[tilespmem:$0x1C900] =	vst v63  }
0x12: {  	_ =	swait.ge [sflag:s11], $0x2780  }
0x13: {  	[sflag:s11] =	ssyncset.done $0x0  }
0x14: {  	[sflag:s11] =	ssyncadd.s32 $0xFFFFD880  }
0x15: {  	[tilespmem:s12], [sflag:$0x2] =	stream.linear.gather [hbm4b:s7+s4], $0x2780, $0x38;
	[tilespmem:$0x1C900] =	vst v63  }
0x16: {  	_ =	swait.ge [sflag:s11], $0x2780  }
0x17: {  	[sflag:s11] =	ssyncset.done $0x0  }
0x18: {  	s20 =	simm.s32 @p0 $0x1FC2;
	[sflag:s11] =	ssyncadd.s32 $0xFFFFD880  }
0x19: {  	[spmem:s13], [sflag:s20] =	dma.local @p0 [hbm:s5], $0x2900  }
0x1a: {  	s20 =	simm.s32 @p0 $0x2  }
0x1b: {  	_ =	swait.ge @p0 [sflag:s20], $0x2900  }
0x1c: {  	[sflag:s20] =	ssyncset.done @p0 $0x0  }
0x1d: {  	[sflag:s20] =	ssyncadd.s32 @p0 $0xFFFFD700;
	s20 =	simm.s32 @!p0 $0x2  }
0x1e: {  	[spmem:s15], [sflag:s14] =	dma.local @!p0 [hbm:s5], $0x2700  }
0x1f: {  	_ =	swait.ge @!p0 [sflag:s20], $0x2700  }
0x20: {  	[sflag:s20] =	ssyncset.done @!p0 $0x0  }
0x21: {  	[sflag:s20] =	ssyncadd.s32 @!p0 $0xFFFFD900  }
0x22: {  	s30 =	simm.s32 $0x0;
	[bflag:$0x0] =	sbarrier.arrive $0xFFFF  }
0x23: {  	[tilespmem:s17], [sflag:$0x1] =	stream.indirect.gather [hbm4b:s1+s16], $0x80, s30, s16, $0xb8;
	[tilespmem:$0x1C900] =	vst v63  }
0x24: {  	_ =	swait.ge [sflag:s18], $0x4000  }
0x25: {  	[sflag:s18] =	ssyncset.done $0x0  }
0x26: {  	s31 =	simm.s32 $0x2800;
	[sflag:s18] =	ssyncadd.s32 $0xFFFFC000  }
0x27: {  	[spmem:s3] =	stream.indirect.scatter.add.f32 [tilespmem:s17], [sflag:$0x2], $0x80, s31, s16, $0xb8;
	[tilespmem:$0x1C900] =	vst v63  }
0x28: {  	_ =	swait.ge [sflag:s11], $0x4000  }
0x29: {  	s21 =	simm.s32 $0x400;
	s20 =	simm.s32 $0x200;
	[sflag:s11] =	ssyncset.done $0x0  }
.LBB2_2:
0x2a: {  	s22 =	sshra.s32 s20, $0x2  }
0x2b: {  	[sflag:s11] =	ssyncadd.s32 $0xFFFFC000;
	s20 =	smov.u32 s21;
	s23 =	sadd.s32 $0x200, s21  }
0x2c: {  	[tilespmem:s17], [sflag:$0x1] =	stream.indirect.gather [hbm4b:s1+s16], $0x80, s22, s16, $0xb8;
	[tilespmem:$0x1C900] =	vst v63  }
0x2d: {  	p1 =	sne.s32 s21, $0x9C00;
	_ =	swait.ge [sflag:s18], $0x4000  }
.Ltmp0:
0x2e: {  	[sflag:s18] =	ssyncset.done $0x0;
	(pc) =	sbr.rel @p1 .LBB2_2-.Ltmp0, $4  }
0x2f: {  	s21 =	sadd.s32 $0x2800, s22;
	[sflag:s18] =	ssyncadd.s32 $0xFFFFC000  }
0x30: {  	[spmem:s3] =	stream.indirect.scatter.add.f32 [tilespmem:s17], [sflag:$0x2], $0x80, s21, s16, $0xb8;
	[tilespmem:$0x1C900] =	vst v63  }
0x31: {  	_ =	swait.ge [sflag:s11], $0x4000  }
0x32: {  	s21 =	smov.u32 s23;
	[sflag:s11] =	ssyncset.done $0x0  }
0x33: {  	s20 =	sshra.s32 s20, $0x2;
	[sflag:s11] =	ssyncadd.s32 $0xFFFFC000  }
0x34: {  	[tilespmem:s17], [sflag:$0x1] =	stream.indirect.gather [hbm4b:s1+s16], $0x80, s20, s16, $0xb8;
	[tilespmem:$0x1C900] =	vst v63  }
0x35: {  	_ =	swait.ge [sflag:s18], $0x4000  }
0x36: {  	[sflag:s18] =	ssyncset.done $0x0  }
0x37: {  	s20 =	sadd.s32 $0x2800, s20;
	[sflag:s18] =	ssyncadd.s32 $0xFFFFC000  }
0x38: {  	[spmem:s3] =	stream.indirect.scatter.add.f32 [tilespmem:s17], [sflag:$0x2], $0x80, s20, s16, $0xb8;
	[tilespmem:$0x1C900] =	vst v63  }
0x39: {  	_ =	swait.ge [sflag:s11], $0x4000  }
0x3a: {  	[sflag:s11] =	ssyncset.done $0x0  }
0x3b: {  	[sflag:s11] =	ssyncadd.s32 $0xFFFFC000  }
0x3c: {  	s20 =	simm.s32 @p0 $0x1FC2;
	[bflag:$0x0] =	sbarrier.arrive $0xFFFF  }
0x3d: {  	[hbm:s9], [sflag:s20] =	dma.local @p0 [spmem:s13], $0x2900  }
0x3e: {  	s20 =	simm.s32 @p0 $0x2  }
0x3f: {  	s19 =	sadd.s32 $0x1, s19;
	_ =	swait.ge @p0 [sflag:s20], $0x2900  }
0x40: {  	p1 =	sne.s32 s19, s10;
	[sflag:s20] =	ssyncset.done @p0 $0x0  }
.Ltmp1:
0x41: {  	[sflag:s20] =	ssyncadd.s32 @p0 $0xFFFFD700;
	s20 =	simm.s32 @!p0 $0x2;
	(pc) =	sbr.rel @p1 .LBB2_1-.Ltmp1, $4  }
0x42: {  	[hbm:s8], [sflag:s14] =	dma.local @!p0 [spmem:s15], $0x2700  }
0x43: {  	_ =	swait.ge @!p0 [sflag:s20], $0x2700  }
0x44: {  	[sflag:s20] =	ssyncset.done @!p0 $0x0  }
0x45: {  	[sflag:s20] =	ssyncadd.s32 @!p0 $0xFFFFD900  }
0x46: {  	_ =	sfence.sel $0x180000  }
0x47: {  	[bflag:$0x0] =	sbarrier.arrive $0xFFFF  }
0x48: {  	p0 =	sne.s32 s0, $0x0;
	_ =	strace $0x90000047  }
0x49: {  	s0 =	sadd.s32 @!p0 $0x100000, s2;
	[bflag:$0x2] =	sbarrier.arrive $0xFFFF  }
0x4a: {  	[sflag:s0] =	ssyncadd.tile.s32 @!p0 $0x1;
	_ =	shalt  }
.Lfunc_end2:
_tile_overlayer_lowered:
.L_overlay_start_2:
0x4b: {  	(tag) =	ssettag $0x2  }
0x4c: {  	s0 =	rddreg [dreg:$0x0];
	s2 =	stileid.u32  }
0x4d: {  	s1 =	rddreg [dreg:$0x1];
	p0 =	sne.s32 s2, $0x0  }
0x4e: {  	s3 =	rddreg [dreg:$0x2];
	[bflag:$0x3] =	sbarrier.arrive $0xFFFF;
	s2 =	simm.s32 @!p0 $0x1C02  }
0x4f: {  	[timem:s3], [sflag:s2] =	dma.local @!p0 [hbm:s0], s1  }
0x50: {  	s0 =	simm.s32 @!p0 $0x2  }
0x51: {  	_ =	swait.ge @!p0 [sflag:s0], s1  }
0x52: {  	s1 =	ssub.s32 @!p0 $0x0, s1;
	[sflag:s0] =	ssyncset.done @!p0 $0x0  }
0x53: {  	[sflag:s0] =	ssyncadd.s32 @!p0 s1  }
0x54: {  	[bflag:$0x3] =	sbarrier.arrive $0xFFFF  }
0x55: {  	_ =	shalt  }

// kernel: kernel.20.cloned.1.call-start
scs
__scs_entry_jumppad:
0x0: {  	(pc) =	sbr.rel $0x88, $3  }
0x1: {  	(tag) =	ssettag $0x0;
	lr =	simm.s32 $0x1  }
0x2: {  	[smem:$0x3F91] =	sst lr;
	_ =	strace $0xD0000000  }
0x3: {  	_ = 	snop  }
0x4: {  	_ = 	snop  }
0x5: {  	_ = 	snop  }
0x6: {  	_ = 	snop  }
0x7: {  	_ = 	snop  }
__scs_overlays_trampoline_lowered:
0x8: {  	[smem:$0x3FA0] =	sst s0  }
0x9: {  	[smem:$0x3FA1] =	sst s1  }
0xa: {  	[smem:$0x3FA2] =	sst s2  }
0xb: {  	[smem:$0x3FA3] =	sst s3  }
0xc: {  	[smem:$0x3FA4] =	sst s4  }
0xd: {  	[smem:$0x3FA5] =	sst s5  }
0xe: {  	[smem:$0x3FA6] =	sst s6  }
0xf: {  	[smem:$0x3FA7] =	sst s7  }
0x10: {  	[smem:$0x3FA8] =	sst s8  }
0x11: {  	[smem:$0x3FA9] =	sst s9;
	s0 =	simm.s32 @!p0 $0x0  }
0x12: {  	s1 =	sld [smem:$0x3F8F];
	s0 =	simm.s32 @p0 $0x1  }
0x13: {  	[smem:$0x3FAA] =	sst s0;
	s0 =	simm.s32 @!p1 $0x0  }
0x14: {  	s2 =	sld [smem:$0x3F8E];
	s0 =	simm.s32 @p1 $0x1  }
0x15: {  	[smem:$0x3FAB] =	sst s0;
	s0 =	simm.s32 @!p2 $0x0  }
0x16: {  	s3 =	sld [smem:$0x3FDB];
	s0 =	simm.s32 @p2 $0x1  }
0x17: {  	s4 =	simm.s32 $0x1BF5;
	[smem:$0x3FAD] =	sst s0  }
0x18: {  	s0 =	sld [smem:$0x3F90];
	_ =	swait.ge [sflag:s4], $0x0  }
0x19: {  	s7 =	sld [smem:$0x3F91]  }
0x1a: {  	s8 =	sadd.s32 $0xFFFFE003, lr  }
0x1b: {  	s9 =	sadd.s32 $0xFFFFFEF7, lr;
	s5 =	simm.s32 $0xFFFFFFFF;
	p2 =	slt.u32 s8, $0xFFFFF086  }
0x1c: {  	p1 =	slt.u32 s9, $0xF7A;
	s5 =	simm.s32 @!p2 $0x0  }
0x1d: {  	s5 =	simm.s32 @p1 $0x1;
	p0 =	seq.s32 s7, s2  }
0x1e: {  	s7 =	smul.u32 @!p0 $0xF7A, s2;
	p2 =	seq.s32 @!p0 s5, $0x0  }
0x1f: {  	s9 =	smul.u32 $0xF7A, s1;
	s8 =	simm.s32 @!p0 $0x1BF5;
	p2 =	por !p2, p0  }
0x20: {  	[sflag:s8] =	ssyncset.s32 @!p0 $0xFFFFF086;
	s6 =	sadd.s32 @!p0 s3, s7;
	s7 =	simm.s32 @!p0 $0x108  }
0x21: {  	s3 =	sadd.s32 s3, s9;
	s6 =	sadd.s32 @!p0 $0x88, s6;
	s7 =	simm.s32 @p2 $0x1082  }
0x22: {  	[simem:s7], [sflag:s8] =	dma.local @!p0 [hbm:s6], $0xF7A  }
0x23: {  	s9 =	sor.u32 $0xD0000000, s2;
	s6 =	simm.s32 $0x108;
	_ =	swait.ge @!p0 [sflag:s8], $0x0  }
0x24: {  	s3 =	sadd.s32 $0x88, s3;
	s6 =	simm.s32 @!p1 $0x1082;
	[sflag:s4] =	ssyncset.s32 $0xFFFFF086  }
0x25: {  	[simem:s6], [sflag:s4] =	dma.local [hbm:s3], $0xF7A  }
0x26: {  	[smem:$0x3F91] =	sst s1;
	(tag) =	ssettag s2;
	_ =	strace s9  }
0x27: {  	s1 =	sld [smem:$0x3FA1]  }
0x28: {  	s2 =	sld [smem:$0x3FA2]  }
0x29: {  	s4 =	sld [smem:$0x3FA4]  }
0x2a: {  	p0 =	seq.s32 s5, $0x0;
	s5 =	sld [smem:$0x3FA5]  }
0x2b: {  	s6 =	sld [smem:$0x3FA6]  }
0x2c: {  	s7 =	sld [smem:$0x3FA7]  }
0x2d: {  	s3 =	simm.s32 $0x108;
	s8 =	sld [smem:$0x3FA8]  }
0x2e: {  	s3 =	simm.s32 @!p0 $0x1082;
	s9 =	sld [smem:$0x3FA9]  }
0x2f: {  	lr =	sadd.s32 s0, s3;
	s0 =	sld [smem:$0x3FA0]  }
0x30: {  	s3 =	sld [smem:$0x3FA3]  }
0x31: {  	[smem:$0x3FAC] =	sst s10  }
0x32: {  	s10 =	sld [smem:$0x3FAA];
	_ =	sdelay $0x3  }
0x33: {  	p0 =	seq.s32 s10, $0x1;
	s10 =	sld [smem:$0x3FAC];
	_ =	sdelay $0x3  }
0x34: {  	[smem:$0x3FAC] =	sst s10  }
0x35: {  	s10 =	sld [smem:$0x3FAB];
	_ =	sdelay $0x3  }
0x36: {  	p1 =	seq.s32 s10, $0x1;
	s10 =	sld [smem:$0x3FAC];
	_ =	sdelay $0x3  }
0x37: {  	[smem:$0x3FAC] =	sst s10  }
0x38: {  	s10 =	sld [smem:$0x3FAD]  }
0x39: {  	_ = 	snop;
	(pc) =	sbr.ind lr, $3  }
0x3a: {  	_ = 	snop  }
0x3b: {  	_ = 	snop  }
0x3c: {  	p2 =	seq.s32 s10, $0x1;
	s10 =	sld [smem:$0x3FAC]  }
0x3d: {  	_ =	shalt  }
0x3e: {  	_ =	shalt  }
0x3f: {  	_ =	shalt  }
0x40: {  	_ =	shalt  }
0x41: {  	_ =	shalt  }
0x42: {  	_ =	shalt  }
0x43: {  	_ =	shalt  }
0x44: {  	_ =	shalt  }
0x45: {  	_ =	shalt  }
0x46: {  	_ =	shalt  }
0x47: {  	_ =	shalt  }
0x48: {  	_ =	shalt  }
0x49: {  	_ =	shalt  }
0x4a: {  	_ =	shalt  }
0x4b: {  	_ =	shalt  }
0x4c: {  	_ =	shalt  }
0x4d: {  	_ =	shalt  }
0x4e: {  	_ =	shalt  }
0x4f: {  	_ =	shalt  }
0x50: {  	_ =	shalt  }
0x51: {  	_ =	shalt  }
0x52: {  	_ =	shalt  }
0x53: {  	_ =	shalt  }
0x54: {  	_ =	shalt  }
0x55: {  	_ =	shalt  }
0x56: {  	_ =	shalt  }
0x57: {  	_ =	shalt  }
0x58: {  	_ =	shalt  }
0x59: {  	_ =	shalt  }
0x5a: {  	_ =	shalt  }
0x5b: {  	_ =	shalt  }
0x5c: {  	_ =	shalt  }
0x5d: {  	_ =	shalt  }
0x5e: {  	_ =	shalt  }
0x5f: {  	_ =	shalt  }
0x60: {  	_ =	shalt  }
0x61: {  	_ =	shalt  }
0x62: {  	_ =	shalt  }
0x63: {  	_ =	shalt  }
0x64: {  	_ =	shalt  }
0x65: {  	_ =	shalt  }
0x66: {  	_ =	shalt  }
0x67: {  	_ =	shalt  }
0x68: {  	_ =	shalt  }
0x69: {  	_ =	shalt  }
0x6a: {  	_ =	shalt  }
0x6b: {  	_ =	shalt  }
0x6c: {  	_ =	shalt  }
0x6d: {  	_ =	shalt  }
0x6e: {  	_ =	shalt  }
0x6f: {  	_ =	shalt  }
0x70: {  	_ =	shalt  }
0x71: {  	_ =	shalt  }
0x72: {  	_ =	shalt  }
0x73: {  	_ =	shalt  }
0x74: {  	_ =	shalt  }
0x75: {  	_ =	shalt  }
0x76: {  	_ =	shalt  }
0x77: {  	_ =	shalt  }
0x78: {  	_ =	shalt  }
0x79: {  	_ =	shalt  }
0x7a: {  	_ =	shalt  }
0x7b: {  	_ =	shalt  }
0x7c: {  	_ =	shalt  }
0x7d: {  	_ =	shalt  }
0x7e: {  	_ =	shalt  }
0x7f: {  	_ =	shalt  }
0x80: {  	_ =	shalt  }
0x81: {  	_ =	shalt  }
0x82: {  	_ =	shalt  }
0x83: {  	_ =	shalt  }
0x84: {  	_ =	shalt  }
0x85: {  	_ =	shalt  }
0x86: {  	_ =	shalt  }
0x87: {  	_ =	shalt  }
.Lfunc_end0:
.L_simem_size_0:
called_computation.2_lowered:
.L_overlay_start_0:
0x88: {  	s2 =	sld [smem:$0x3FD9]  }
0x89: {  	s3 =	sld [smem:$0x3FFE];
	_ =	sdelay $0x1  }
0x8a: {  	s1 =	srdreg.scid  }
0x8b: {  	s0 =	sand.u32 $0x1, s1  }
0x8c: {  	s16 =	sshll.u32 s0, $0xA;
	s2 =	sadd.s32 s3, s2  }
0x8d: {  	s2 =	sadd.s32 s2, s16  }
0x8e: {  	[smem:$0x3FB8] =	sst s2  }
0x8f: {  	_ = 	snop  }
0x90: {  	(tm) =	ssettm $0x1  }
0x91: {  	s17 =	sld [smem:$0x3FFB];
	_ =	sdelay $0x3  }
0x92: {  	_ =	strace s17  }
0x93: {  	s2 =	sld [smem:$0x3FFC];
	_ =	sdelay $0x3  }
0x94: {  	_ =	strace s2  }
0x95: {  	s2 =	sld [smem:$0x3FFD];
	_ =	sdelay $0x3  }
0x96: {  	_ =	strace s2  }
0x97: {  	_ =	strace $0x8FFFFFFF  }
0x98: {  	s18 =	sld [smem:$0x3FDB];
	_ =	sdelay $0x1  }
0x99: {  	s19 =	simm.s32 $_scs_section_size  }
0x9a: {  	s4 =	simm.s32 $_size__tile_overlayer_lowered;
	s5 =	simm.s32 $_tile_overlayer_lowered  }
0x9b: {  	s22 =	simm.s32 $0x1BFF;
	s21 =	sshll.u32 s5, $0x1;
	s2 =	sadd.s32 s19, s18  }
0x9c: {  	s6 =	simm.s32 $0x0;
	s20 =	sshll.u32 s4, $0x1;
	s4 =	sadd.s32 s21, s2  }
0x9d: {  	[timem:s6], [sflag:s22] =	dma.local [hbm:s4], s20  }
0x9e: {  	_ =	swait.ge [sflag:s22], s20  }
0x9f: {  	s3 =	ssub.s32 $0x0, s20;
	[sflag:s22] =	ssyncset.done $0x0  }
0xa0: {  	[sflag:s22] =	ssyncadd.s32 s3;
	_ =	sdelay $0x1  }
0xa1: {  	s23 =	simm.s32 $0x1B8B  }
0xa2: {  	_ =	swait.ge [sflag:s23], $0x1  }
0xa3: {  	[sflag:s23] =	ssyncset.done $0x0  }
0xa4: {  	s25 =	simm.s32 $0x1B8E;
	s24 =	sld [smem:$0x3FFE];
	[sflag:s23] =	ssyncadd.s32 $0xFFFFFFFF  }
0xa5: {  	s26 =	simm.s32 $execute0_lowered;
	[smem:$0x3FD2] =	sst s25  }
0xa6: {  	s4 =	sshll.u32 s26, $0x1;
	_ =	strace $0x8000004C;
	[dreg:$0x1] =	wrdreg $0xFFFFFFFF  }
0xa7: {  	s28 =	simm.s32 $_size_execute0_lowered;
	s2 =	sadd.s32 s2, s4;
	[dreg:$0x0] =	wrdreg $0x0  }
0xa8: {  	s4 =	sshll.u32 s28, $0x1;
	[dreg:$0x2] =	wrdreg s2  }
0xa9: {  	[dreg:$0x3] =	wrdreg s4  }
0xaa: {  	[dreg:$0x4] =	wrdreg $0xC0  }
0xab: {  	_ =	task [dreg:s6], $0x5FFFF  }
0xac: {  	[dreg:$0x1] =	wrdreg $0xFFFFFFFF  }
0xad: {  	[dreg:$0x0] =	wrdreg $0x60  }
0xae: {  	[dreg:$0x2] =	wrdreg s24  }
0xaf: {  	[dreg:$0x3] =	wrdreg $0x90000  }
0xb0: {  	[dreg:$0x4] =	wrdreg $0x9  }
0xb1: {  	_ =	task.clear_ibuf [dreg:s6], $0x5FFFF;
	_ =	strace $0x9000004C  }
0xb2: {  	s29 =	simm.s32 $0x9;
	_ =	strace $0x8000004E  }
0xb3: {  	_ =	swait.ge [sflag:s29], $0x1  }
0xb4: {  	[sflag:s29] =	ssyncadd.s32 $0xFFFFFFFF  }
0xb5: {  	_ =	strace $0x9000004E  }
0xb6: {  	_ =	sfence  }
0xb7: {  	s30 =	sld [smem:$0x0];
	_ =	sdelay $0x2  }
0xb8: {  	s31 =	sshll.u32 s1, $0xD;
	s1 =	sshrl.u32 s1, $0x2  }
0xb9: {  	s3 =	sand.u32 $0x4000, s31;
	s1 =	sadd.s32 s1, s30  }
0xba: {  	s0 =	sor.u32 s3, s0;
	s1 =	sshll.u32 s1, $0x11  }
0xbb: {  	s0 =	sor.u32 s1, s0  }
0xbc: {  	s0 =	sadd.s32 $0x8F2B, s0  }
0xbd: {  	[sflag:s0] =	ssyncadd.remote.s32 $0x1  }
0xbe: {  	_ =	sfence.sel $0xFFFF  }
0xbf: {  	[dreg:$0x0] =	wrdreg $0xFFFFFFFF;
	(pc) =	sbr.abs _section_cstart, $3  }
0xc0: {  	[dreg:$0x1] =	wrdreg $0xFFFFFFFF  }
0xc1: {  	_ =	task.clear_ibuf [dreg:s6], $0x2FFFF;
	_ =	strace $0x9FFFFFFF  }
0xc2: {  	(tm) =	ssettm $0x7FFFFFFF  }
0xc3: {  	_ =	shalt  }
tec
execute0_lowered:
.L_overlay_start_1:
0x0: {  	(tag) =	ssettag $0x1  }
0x1: {  	s6 =	rddreg [dreg:$0x0]  }
0x2: {  	s1 =	srdreg.scid;
	s0 =	stileid.u32  }
0x3: {  	s2 =	rddreg [dreg:$0x1];
	s3 =	simm.s32 $0x0;
	s16 =	simm.s32 $0x80  }
0x4: {  	s17 =	simm.s32 $0x5000;
	s18 =	simm.s32 $0x1;
	s19 =	simm.s32 $0x0  }
0x5: {  	s7 =	sand.u32 $0x1, s1;
	s4 =	sshll.u32 s0, $0x1;
	s1 =	rddreg [dreg:$0x2]  }
0x6: {  	[smem:$0x7FF] =	sst s3;
	s9 =	smul.u32 $0x4E000, s0;
	s12 =	sadd.s32 $0x42800, s6  }
0x7: {  	s13 =	smul.u32 $0x13800, s0;
	p0 =	seq.s32 s0, $0xF;
	s4 =	sor.u32 s7, s4  }
0x8: {  	_ =	strace $0x8000004D;
	s10 =	ssub.s32 $0x2, s7;
	s11 =	smul.u32 $0x139000, s7  }
0x9: {  	s14 =	sshll.u32 @!p0 s0, $0x6;
	s5 =	smul.u32 $0x500, s4;
	s4 =	sadd.s32 $0x1B600, s6  }
0xa: {  	s26 =	sshrl.u32 s10, $0x1;
	s28 =	sshrl.u32 s9, $0x2;
	s14 =	sor.u32 @!p0 $0x1C02, s14  }
0xb: {  	s10 =	ssub.s32 s10, s26;
	s29 =	sadd.s32 s13, s11;
	s11 =	sshrl.u32 s11, $0x3  }
0xc: {  	s15 =	sadd.s32 s28, s2;
	s13 =	sadd.s32 $0x124800, s2;
	s8 =	sadd.s32 s5, s6  }
0xd: {  	s5 =	sadd.s32 $0x18C00, s6;
	s30 =	sshrl.u32 s29, $0x3;
	s31 =	sadd.s32 s12, s11  }
0xe: {  	s10 =	smax.u32 s10, $0x1;
	s11 =	simm.s32 $0x2;
	s13 =	sshrl.u32 @p0 s13, $0x3  }
0xf: {  	s15 =	sshrl.u32 @!p0 s15, $0x3;
	s6 =	sadd.s32 $0xEC00, s8;
	s7 =	sadd.s32 $0x4C00, s8  }
0x10: {  	s8 =	sadd.s32 s12, s30;
	s9 =	sadd.s32 $0x24900, s31;
	s12 =	simm.s32 $0x2800  }
.LBB2_1:
0x11: {  	[tilespmem:s3], [sflag:$0x2] =	stream.linear.gather [hbm4b:s6+s3], $0x2780, $0x38;
	[tilespmem:$0x1C900] =	vst v63  }
0x12: {  	_ =	swait.ge [sflag:s11], $0x2780  }
0x13: {  	[sflag:s11] =	ssyncset.done $0x0  }
0x14: {  	[sflag:s11] =	ssyncadd.s32 $0xFFFFD880  }
0x15: {  	[tilespmem:s12], [sflag:$0x2] =	stream.linear.gather [hbm4b:s7+s3], $0x2780, $0x38;
	[tilespmem:$0x1C900] =	vst v63  }
0x16: {  	_ =	swait.ge [sflag:s11], $0x2780  }
0x17: {  	[sflag:s11] =	ssyncset.done $0x0  }
0x18: {  	s20 =	simm.s32 @p0 $0x1FC2;
	[sflag:s11] =	ssyncadd.s32 $0xFFFFD880  }
0x19: {  	[spmem:s13], [sflag:s20] =	dma.local @p0 [hbm:s5], $0x2900  }
0x1a: {  	s20 =	simm.s32 @p0 $0x2  }
0x1b: {  	_ =	swait.ge @p0 [sflag:s20], $0x2900  }
0x1c: {  	[sflag:s20] =	ssyncset.done @p0 $0x0  }
0x1d: {  	[sflag:s20] =	ssyncadd.s32 @p0 $0xFFFFD700;
	s20 =	simm.s32 @!p0 $0x2  }
0x1e: {  	[spmem:s15], [sflag:s14] =	dma.local @!p0 [hbm:s5], $0x2700  }
0x1f: {  	_ =	swait.ge @!p0 [sflag:s20], $0x2700  }
0x20: {  	[sflag:s20] =	ssyncset.done @!p0 $0x0  }
0x21: {  	[sflag:s20] =	ssyncadd.s32 @!p0 $0xFFFFD900  }
0x22: {  	s30 =	simm.s32 $0x0;
	[bflag:$0x0] =	sbarrier.arrive $0xFFFF  }
0x23: {  	[tilespmem:s17], [sflag:$0x1] =	stream.indirect.gather [hbm4b:s4+s16], $0x80, s30, s16, $0xb8;
	[tilespmem:$0x1C900] =	vst v63  }
0x24: {  	_ =	swait.ge [sflag:s18], $0x4000  }
0x25: {  	[sflag:s18] =	ssyncset.done $0x0  }
0x26: {  	s31 =	simm.s32 $0x2800;
	[sflag:s18] =	ssyncadd.s32 $0xFFFFC000  }
0x27: {  	[spmem:s2] =	stream.indirect.scatter.add.f32 [tilespmem:s17], [sflag:$0x2], $0x80, s31, s16, $0xb8;
	[tilespmem:$0x1C900] =	vst v63  }
0x28: {  	_ =	swait.ge [sflag:s11], $0x4000  }
0x29: {  	s21 =	simm.s32 $0x400;
	s20 =	simm.s32 $0x200;
	[sflag:s11] =	ssyncset.done $0x0  }
.LBB2_2:
0x2a: {  	s22 =	sshra.s32 s20, $0x2  }
0x2b: {  	[sflag:s11] =	ssyncadd.s32 $0xFFFFC000;
	s20 =	smov.u32 s21;
	s23 =	sadd.s32 $0x200, s21  }
0x2c: {  	[tilespmem:s17], [sflag:$0x1] =	stream.indirect.gather [hbm4b:s4+s16], $0x80, s22, s16, $0xb8;
	[tilespmem:$0x1C900] =	vst v63  }
0x2d: {  	p1 =	sne.s32 s21, $0x9C00;
	_ =	swait.ge [sflag:s18], $0x4000  }
.Ltmp0:
0x2e: {  	[sflag:s18] =	ssyncset.done $0x0;
	(pc) =	sbr.rel @p1 .LBB2_2-.Ltmp0, $4  }
0x2f: {  	s21 =	sadd.s32 $0x2800, s22;
	[sflag:s18] =	ssyncadd.s32 $0xFFFFC000  }
0x30: {  	[spmem:s2] =	stream.indirect.scatter.add.f32 [tilespmem:s17], [sflag:$0x2], $0x80, s21, s16, $0xb8;
	[tilespmem:$0x1C900] =	vst v63  }
0x31: {  	_ =	swait.ge [sflag:s11], $0x4000  }
0x32: {  	s21 =	smov.u32 s23;
	[sflag:s11] =	ssyncset.done $0x0  }
0x33: {  	s20 =	sshra.s32 s20, $0x2;
	[sflag:s11] =	ssyncadd.s32 $0xFFFFC000  }
0x34: {  	[tilespmem:s17], [sflag:$0x1] =	stream.indirect.gather [hbm4b:s4+s16], $0x80, s20, s16, $0xb8;
	[tilespmem:$0x1C900] =	vst v63  }
0x35: {  	_ =	swait.ge [sflag:s18], $0x4000  }
0x36: {  	[sflag:s18] =	ssyncset.done $0x0  }
0x37: {  	s20 =	sadd.s32 $0x2800, s20;
	[sflag:s18] =	ssyncadd.s32 $0xFFFFC000  }
0x38: {  	[spmem:s2] =	stream.indirect.scatter.add.f32 [tilespmem:s17], [sflag:$0x2], $0x80, s20, s16, $0xb8;
	[tilespmem:$0x1C900] =	vst v63  }
0x39: {  	_ =	swait.ge [sflag:s11], $0x4000  }
0x3a: {  	[sflag:s11] =	ssyncset.done $0x0  }
0x3b: {  	[sflag:s11] =	ssyncadd.s32 $0xFFFFC000  }
0x3c: {  	s20 =	simm.s32 @p0 $0x1FC2;
	[bflag:$0x0] =	sbarrier.arrive $0xFFFF  }
0x3d: {  	[hbm:s9], [sflag:s20] =	dma.local @p0 [spmem:s13], $0x2900  }
0x3e: {  	s20 =	simm.s32 @p0 $0x2  }
0x3f: {  	s19 =	sadd.s32 $0x1, s19;
	_ =	swait.ge @p0 [sflag:s20], $0x2900  }
0x40: {  	p1 =	sne.s32 s19, s10;
	[sflag:s20] =	ssyncset.done @p0 $0x0  }
.Ltmp1:
0x41: {  	[sflag:s20] =	ssyncadd.s32 @p0 $0xFFFFD700;
	s20 =	simm.s32 @!p0 $0x2;
	(pc) =	sbr.rel @p1 .LBB2_1-.Ltmp1, $4  }
0x42: {  	[hbm:s8], [sflag:s14] =	dma.local @!p0 [spmem:s15], $0x2700  }
0x43: {  	_ =	swait.ge @!p0 [sflag:s20], $0x2700  }
0x44: {  	[sflag:s20] =	ssyncset.done @!p0 $0x0  }
0x45: {  	[sflag:s20] =	ssyncadd.s32 @!p0 $0xFFFFD900  }
0x46: {  	_ =	sfence.sel $0x180000  }
0x47: {  	[bflag:$0x0] =	sbarrier.arrive $0xFFFF  }
0x48: {  	p0 =	sne.s32 s0, $0x0;
	_ =	strace $0x9000004D  }
0x49: {  	s0 =	sadd.s32 @!p0 $0x100000, s1;
	[bflag:$0x2] =	sbarrier.arrive $0xFFFF  }
0x4a: {  	[sflag:s0] =	ssyncadd.tile.s32 @!p0 $0x1;
	_ =	shalt  }
.Lfunc_end2:
_tile_overlayer_lowered:
.L_overlay_start_2:
0x4b: {  	(tag) =	ssettag $0x2  }
0x4c: {  	s0 =	rddreg [dreg:$0x0];
	s2 =	stileid.u32  }
0x4d: {  	s1 =	rddreg [dreg:$0x1];
	p0 =	sne.s32 s2, $0x0  }
0x4e: {  	s3 =	rddreg [dreg:$0x2];
	[bflag:$0x3] =	sbarrier.arrive $0xFFFF;
	s2 =	simm.s32 @!p0 $0x1C02  }
0x4f: {  	[timem:s3], [sflag:s2] =	dma.local @!p0 [hbm:s0], s1  }
0x50: {  	s0 =	simm.s32 @!p0 $0x2  }
0x51: {  	_ =	swait.ge @!p0 [sflag:s0], s1  }
0x52: {  	s1 =	ssub.s32 @!p0 $0x0, s1;
	[sflag:s0] =	ssyncset.done @!p0 $0x0  }
0x53: {  	[sflag:s0] =	ssyncadd.s32 @!p0 s1  }
0x54: {  	[bflag:$0x3] =	sbarrier.arrive $0xFFFF  }
0x55: {  	_ =	shalt  }

// kernel: kernel.23.cloned.1.call-start
scs
__scs_entry_jumppad:
0x0: {  	(pc) =	sbr.rel $0x88, $3  }
0x1: {  	(tag) =	ssettag $0x0;
	lr =	simm.s32 $0x1  }
0x2: {  	[smem:$0x3F91] =	sst lr;
	_ =	strace $0xD0000000  }
0x3: {  	_ = 	snop  }
0x4: {  	_ = 	snop  }
0x5: {  	_ = 	snop  }
0x6: {  	_ = 	snop  }
0x7: {  	_ = 	snop  }
__scs_overlays_trampoline_lowered:
0x8: {  	[smem:$0x3FA0] =	sst s0  }
0x9: {  	[smem:$0x3FA1] =	sst s1  }
0xa: {  	[smem:$0x3FA2] =	sst s2  }
0xb: {  	[smem:$0x3FA3] =	sst s3  }
0xc: {  	[smem:$0x3FA4] =	sst s4  }
0xd: {  	[smem:$0x3FA5] =	sst s5  }
0xe: {  	[smem:$0x3FA6] =	sst s6  }
0xf: {  	[smem:$0x3FA7] =	sst s7  }
0x10: {  	[smem:$0x3FA8] =	sst s8  }
0x11: {  	[smem:$0x3FA9] =	sst s9;
	s0 =	simm.s32 @!p0 $0x0  }
0x12: {  	s1 =	sld [smem:$0x3F8F];
	s0 =	simm.s32 @p0 $0x1  }
0x13: {  	[smem:$0x3FAA] =	sst s0;
	s0 =	simm.s32 @!p1 $0x0  }
0x14: {  	s2 =	sld [smem:$0x3F8E];
	s0 =	simm.s32 @p1 $0x1  }
0x15: {  	[smem:$0x3FAB] =	sst s0;
	s0 =	simm.s32 @!p2 $0x0  }
0x16: {  	s3 =	sld [smem:$0x3FDB];
	s0 =	simm.s32 @p2 $0x1  }
0x17: {  	s4 =	simm.s32 $0x1BF5;
	[smem:$0x3FAD] =	sst s0  }
0x18: {  	s0 =	sld [smem:$0x3F90];
	_ =	swait.ge [sflag:s4], $0x0  }
0x19: {  	s7 =	sld [smem:$0x3F91]  }
0x1a: {  	s8 =	sadd.s32 $0xFFFFE003, lr  }
0x1b: {  	s9 =	sadd.s32 $0xFFFFFEF7, lr;
	s5 =	simm.s32 $0xFFFFFFFF;
	p2 =	slt.u32 s8, $0xFFFFF086  }
0x1c: {  	p1 =	slt.u32 s9, $0xF7A;
	s5 =	simm.s32 @!p2 $0x0  }
0x1d: {  	s5 =	simm.s32 @p1 $0x1;
	p0 =	seq.s32 s7, s2  }
0x1e: {  	s7 =	smul.u32 @!p0 $0xF7A, s2;
	p2 =	seq.s32 @!p0 s5, $0x0  }
0x1f: {  	s9 =	smul.u32 $0xF7A, s1;
	s8 =	simm.s32 @!p0 $0x1BF5;
	p2 =	por !p2, p0  }
0x20: {  	[sflag:s8] =	ssyncset.s32 @!p0 $0xFFFFF086;
	s6 =	sadd.s32 @!p0 s3, s7;
	s7 =	simm.s32 @!p0 $0x108  }
0x21: {  	s3 =	sadd.s32 s3, s9;
	s6 =	sadd.s32 @!p0 $0x88, s6;
	s7 =	simm.s32 @p2 $0x1082  }
0x22: {  	[simem:s7], [sflag:s8] =	dma.local @!p0 [hbm:s6], $0xF7A  }
0x23: {  	s9 =	sor.u32 $0xD0000000, s2;
	s6 =	simm.s32 $0x108;
	_ =	swait.ge @!p0 [sflag:s8], $0x0  }
0x24: {  	s3 =	sadd.s32 $0x88, s3;
	s6 =	simm.s32 @!p1 $0x1082;
	[sflag:s4] =	ssyncset.s32 $0xFFFFF086  }
0x25: {  	[simem:s6], [sflag:s4] =	dma.local [hbm:s3], $0xF7A  }
0x26: {  	[smem:$0x3F91] =	sst s1;
	(tag) =	ssettag s2;
	_ =	strace s9  }
0x27: {  	s1 =	sld [smem:$0x3FA1]  }
0x28: {  	s2 =	sld [smem:$0x3FA2]  }
0x29: {  	s4 =	sld [smem:$0x3FA4]  }
0x2a: {  	p0 =	seq.s32 s5, $0x0;
	s5 =	sld [smem:$0x3FA5]  }
0x2b: {  	s6 =	sld [smem:$0x3FA6]  }
0x2c: {  	s7 =	sld [smem:$0x3FA7]  }
0x2d: {  	s3 =	simm.s32 $0x108;
	s8 =	sld [smem:$0x3FA8]  }
0x2e: {  	s3 =	simm.s32 @!p0 $0x1082;
	s9 =	sld [smem:$0x3FA9]  }
0x2f: {  	lr =	sadd.s32 s0, s3;
	s0 =	sld [smem:$0x3FA0]  }
0x30: {  	s3 =	sld [smem:$0x3FA3]  }
0x31: {  	[smem:$0x3FAC] =	sst s10  }
0x32: {  	s10 =	sld [smem:$0x3FAA];
	_ =	sdelay $0x3  }
0x33: {  	p0 =	seq.s32 s10, $0x1;
	s10 =	sld [smem:$0x3FAC];
	_ =	sdelay $0x3  }
0x34: {  	[smem:$0x3FAC] =	sst s10  }
0x35: {  	s10 =	sld [smem:$0x3FAB];
	_ =	sdelay $0x3  }
0x36: {  	p1 =	seq.s32 s10, $0x1;
	s10 =	sld [smem:$0x3FAC];
	_ =	sdelay $0x3  }
0x37: {  	[smem:$0x3FAC] =	sst s10  }
0x38: {  	s10 =	sld [smem:$0x3FAD]  }
0x39: {  	_ = 	snop;
	(pc) =	sbr.ind lr, $3  }
0x3a: {  	_ = 	snop  }
0x3b: {  	_ = 	snop  }
0x3c: {  	p2 =	seq.s32 s10, $0x1;
	s10 =	sld [smem:$0x3FAC]  }
0x3d: {  	_ =	shalt  }
0x3e: {  	_ =	shalt  }
0x3f: {  	_ =	shalt  }
0x40: {  	_ =	shalt  }
0x41: {  	_ =	shalt  }
0x42: {  	_ =	shalt  }
0x43: {  	_ =	shalt  }
0x44: {  	_ =	shalt  }
0x45: {  	_ =	shalt  }
0x46: {  	_ =	shalt  }
0x47: {  	_ =	shalt  }
0x48: {  	_ =	shalt  }
0x49: {  	_ =	shalt  }
0x4a: {  	_ =	shalt  }
0x4b: {  	_ =	shalt  }
0x4c: {  	_ =	shalt  }
0x4d: {  	_ =	shalt  }
0x4e: {  	_ =	shalt  }
0x4f: {  	_ =	shalt  }
0x50: {  	_ =	shalt  }
0x51: {  	_ =	shalt  }
0x52: {  	_ =	shalt  }
0x53: {  	_ =	shalt  }
0x54: {  	_ =	shalt  }
0x55: {  	_ =	shalt  }
0x56: {  	_ =	shalt  }
0x57: {  	_ =	shalt  }
0x58: {  	_ =	shalt  }
0x59: {  	_ =	shalt  }
0x5a: {  	_ =	shalt  }
0x5b: {  	_ =	shalt  }
0x5c: {  	_ =	shalt  }
0x5d: {  	_ =	shalt  }
0x5e: {  	_ =	shalt  }
0x5f: {  	_ =	shalt  }
0x60: {  	_ =	shalt  }
0x61: {  	_ =	shalt  }
0x62: {  	_ =	shalt  }
0x63: {  	_ =	shalt  }
0x64: {  	_ =	shalt  }
0x65: {  	_ =	shalt  }
0x66: {  	_ =	shalt  }
0x67: {  	_ =	shalt  }
0x68: {  	_ =	shalt  }
0x69: {  	_ =	shalt  }
0x6a: {  	_ =	shalt  }
0x6b: {  	_ =	shalt  }
0x6c: {  	_ =	shalt  }
0x6d: {  	_ =	shalt  }
0x6e: {  	_ =	shalt  }
0x6f: {  	_ =	shalt  }
0x70: {  	_ =	shalt  }
0x71: {  	_ =	shalt  }
0x72: {  	_ =	shalt  }
0x73: {  	_ =	shalt  }
0x74: {  	_ =	shalt  }
0x75: {  	_ =	shalt  }
0x76: {  	_ =	shalt  }
0x77: {  	_ =	shalt  }
0x78: {  	_ =	shalt  }
0x79: {  	_ =	shalt  }
0x7a: {  	_ =	shalt  }
0x7b: {  	_ =	shalt  }
0x7c: {  	_ =	shalt  }
0x7d: {  	_ =	shalt  }
0x7e: {  	_ =	shalt  }
0x7f: {  	_ =	shalt  }
0x80: {  	_ =	shalt  }
0x81: {  	_ =	shalt  }
0x82: {  	_ =	shalt  }
0x83: {  	_ =	shalt  }
0x84: {  	_ =	shalt  }
0x85: {  	_ =	shalt  }
0x86: {  	_ =	shalt  }
0x87: {  	_ =	shalt  }
.Lfunc_end0:
.L_simem_size_0:
called_computation.3_lowered:
.L_overlay_start_0:
0x88: {  	s2 =	sld [smem:$0x3FD9]  }
0x89: {  	s3 =	sld [smem:$0x3FFE];
	_ =	sdelay $0x1  }
0x8a: {  	s1 =	srdreg.scid  }
0x8b: {  	s0 =	sand.u32 $0x1, s1  }
0x8c: {  	s16 =	sshll.u32 s0, $0xA;
	s2 =	sadd.s32 s3, s2  }
0x8d: {  	s2 =	sadd.s32 s2, s16  }
0x8e: {  	[smem:$0x3FB8] =	sst s2  }
0x8f: {  	_ = 	snop  }
0x90: {  	(tm) =	ssettm $0x1  }
0x91: {  	s17 =	sld [smem:$0x3FFB];
	_ =	sdelay $0x3  }
0x92: {  	_ =	strace s17  }
0x93: {  	s2 =	sld [smem:$0x3FFC];
	_ =	sdelay $0x3  }
0x94: {  	_ =	strace s2  }
0x95: {  	s2 =	sld [smem:$0x3FFD];
	_ =	sdelay $0x3  }
0x96: {  	_ =	strace s2  }
0x97: {  	_ =	strace $0x8FFFFFFF  }
0x98: {  	s18 =	sld [smem:$0x3FDB];
	_ =	sdelay $0x1  }
0x99: {  	s19 =	simm.s32 $_scs_section_size  }
0x9a: {  	s4 =	simm.s32 $_size__tile_overlayer_lowered;
	s5 =	simm.s32 $_tile_overlayer_lowered  }
0x9b: {  	s22 =	simm.s32 $0x1BFF;
	s21 =	sshll.u32 s5, $0x1;
	s2 =	sadd.s32 s19, s18  }
0x9c: {  	s6 =	simm.s32 $0x0;
	s20 =	sshll.u32 s4, $0x1;
	s4 =	sadd.s32 s21, s2  }
0x9d: {  	[timem:s6], [sflag:s22] =	dma.local [hbm:s4], s20  }
0x9e: {  	_ =	swait.ge [sflag:s22], s20  }
0x9f: {  	s3 =	ssub.s32 $0x0, s20;
	[sflag:s22] =	ssyncset.done $0x0  }
0xa0: {  	[sflag:s22] =	ssyncadd.s32 s3;
	_ =	sdelay $0x1  }
0xa1: {  	s23 =	simm.s32 $0x1B8B  }
0xa2: {  	_ =	swait.ge [sflag:s23], $0x1  }
0xa3: {  	[sflag:s23] =	ssyncset.done $0x0  }
0xa4: {  	s25 =	simm.s32 $0x1B8E;
	s24 =	sld [smem:$0x3FFE];
	[sflag:s23] =	ssyncadd.s32 $0xFFFFFFFF  }
0xa5: {  	s26 =	simm.s32 $execute0_lowered;
	[smem:$0x3FD2] =	sst s25  }
0xa6: {  	s4 =	sshll.u32 s26, $0x1;
	_ =	strace $0x8000004F;
	[dreg:$0x1] =	wrdreg $0xFFFFFFFF  }
0xa7: {  	s28 =	simm.s32 $_size_execute0_lowered;
	s2 =	sadd.s32 s2, s4;
	[dreg:$0x0] =	wrdreg $0x0  }
0xa8: {  	s4 =	sshll.u32 s28, $0x1;
	[dreg:$0x2] =	wrdreg s2  }
0xa9: {  	[dreg:$0x3] =	wrdreg s4  }
0xaa: {  	[dreg:$0x4] =	wrdreg $0xC0  }
0xab: {  	_ =	task [dreg:s6], $0x5FFFF  }
0xac: {  	[dreg:$0x1] =	wrdreg $0xFFFFFFFF  }
0xad: {  	[dreg:$0x0] =	wrdreg $0x60  }
0xae: {  	[dreg:$0x2] =	wrdreg s24  }
0xaf: {  	[dreg:$0x3] =	wrdreg $0x90000  }
0xb0: {  	[dreg:$0x4] =	wrdreg $0x9  }
0xb1: {  	_ =	task.clear_ibuf [dreg:s6], $0x5FFFF;
	_ =	strace $0x9000004F  }
0xb2: {  	s29 =	simm.s32 $0x9;
	_ =	strace $0x80000051  }
0xb3: {  	_ =	swait.ge [sflag:s29], $0x1  }
0xb4: {  	[sflag:s29] =	ssyncadd.s32 $0xFFFFFFFF  }
0xb5: {  	_ =	strace $0x90000051  }
0xb6: {  	_ =	sfence  }
0xb7: {  	s30 =	sld [smem:$0x0];
	_ =	sdelay $0x2  }
0xb8: {  	s31 =	sshll.u32 s1, $0xD;
	s1 =	sshrl.u32 s1, $0x2  }
0xb9: {  	s3 =	sand.u32 $0x4000, s31;
	s1 =	sadd.s32 s1, s30  }
0xba: {  	s0 =	sor.u32 s3, s0;
	s1 =	sshll.u32 s1, $0x11  }
0xbb: {  	s0 =	sor.u32 s1, s0  }
0xbc: {  	s0 =	sadd.s32 $0x8F2B, s0  }
0xbd: {  	[sflag:s0] =	ssyncadd.remote.s32 $0x1  }
0xbe: {  	_ =	sfence.sel $0xFFFF  }
0xbf: {  	[dreg:$0x0] =	wrdreg $0xFFFFFFFF;
	(pc) =	sbr.abs _section_cstart, $3  }
0xc0: {  	[dreg:$0x1] =	wrdreg $0xFFFFFFFF  }
0xc1: {  	_ =	task.clear_ibuf [dreg:s6], $0x2FFFF;
	_ =	strace $0x9FFFFFFF  }
0xc2: {  	(tm) =	ssettm $0x7FFFFFFF  }
0xc3: {  	_ =	shalt  }
tec
execute0_lowered:
.L_overlay_start_1:
0x0: {  	(tag) =	ssettag $0x1  }
0x1: {  	s6 =	rddreg [dreg:$0x0]  }
0x2: {  	s1 =	srdreg.scid;
	s0 =	stileid.u32  }
0x3: {  	s2 =	rddreg [dreg:$0x1];
	s3 =	simm.s32 $0x0;
	s16 =	simm.s32 $0x80  }
0x4: {  	s17 =	simm.s32 $0x5000;
	s18 =	simm.s32 $0x1;
	s19 =	simm.s32 $0x0  }
0x5: {  	s7 =	sand.u32 $0x1, s1;
	s4 =	sshll.u32 s0, $0x1;
	s1 =	rddreg [dreg:$0x2]  }
0x6: {  	[smem:$0x7FF] =	sst s3;
	s9 =	smul.u32 $0x4E000, s0;
	s12 =	sadd.s32 $0x42800, s6  }
0x7: {  	s13 =	smul.u32 $0x13800, s0;
	p0 =	seq.s32 s0, $0xF;
	s4 =	sor.u32 s7, s4  }
0x8: {  	_ =	strace $0x80000050;
	s10 =	ssub.s32 $0x2, s7;
	s11 =	smul.u32 $0x139000, s7  }
0x9: {  	s14 =	sshll.u32 @!p0 s0, $0x6;
	s5 =	smul.u32 $0x500, s4;
	s4 =	sadd.s32 $0x1B600, s6  }
0xa: {  	s26 =	sshrl.u32 s10, $0x1;
	s28 =	sshrl.u32 s9, $0x2;
	s14 =	sor.u32 @!p0 $0x1C02, s14  }
0xb: {  	s10 =	ssub.s32 s10, s26;
	s29 =	sadd.s32 s13, s11;
	s11 =	sshrl.u32 s11, $0x3  }
0xc: {  	s15 =	sadd.s32 s28, s2;
	s13 =	sadd.s32 $0x124800, s2;
	s8 =	sadd.s32 s5, s6  }
0xd: {  	s5 =	sadd.s32 $0x18C00, s6;
	s30 =	sshrl.u32 s29, $0x3;
	s31 =	sadd.s32 s12, s11  }
0xe: {  	s10 =	smax.u32 s10, $0x1;
	s11 =	simm.s32 $0x2;
	s13 =	sshrl.u32 @p0 s13, $0x3  }
0xf: {  	s15 =	sshrl.u32 @!p0 s15, $0x3;
	s6 =	sadd.s32 $0xEC00, s8;
	s7 =	sadd.s32 $0x4C00, s8  }
0x10: {  	s8 =	sadd.s32 s12, s30;
	s9 =	sadd.s32 $0x24900, s31;
	s12 =	simm.s32 $0x2800  }
.LBB2_1:
0x11: {  	[tilespmem:s3], [sflag:$0x2] =	stream.linear.gather [hbm4b:s6+s3], $0x2780, $0x38;
	[tilespmem:$0x1C900] =	vst v63  }
0x12: {  	_ =	swait.ge [sflag:s11], $0x2780  }
0x13: {  	[sflag:s11] =	ssyncset.done $0x0  }
0x14: {  	[sflag:s11] =	ssyncadd.s32 $0xFFFFD880  }
0x15: {  	[tilespmem:s12], [sflag:$0x2] =	stream.linear.gather [hbm4b:s7+s3], $0x2780, $0x38;
	[tilespmem:$0x1C900] =	vst v63  }
0x16: {  	_ =	swait.ge [sflag:s11], $0x2780  }
0x17: {  	[sflag:s11] =	ssyncset.done $0x0  }
0x18: {  	s20 =	simm.s32 @p0 $0x1FC2;
	[sflag:s11] =	ssyncadd.s32 $0xFFFFD880  }
0x19: {  	[spmem:s13], [sflag:s20] =	dma.local @p0 [hbm:s5], $0x2900  }
0x1a: {  	s20 =	simm.s32 @p0 $0x2  }
0x1b: {  	_ =	swait.ge @p0 [sflag:s20], $0x2900  }
0x1c: {  	[sflag:s20] =	ssyncset.done @p0 $0x0  }
0x1d: {  	[sflag:s20] =	ssyncadd.s32 @p0 $0xFFFFD700;
	s20 =	simm.s32 @!p0 $0x2  }
0x1e: {  	[spmem:s15], [sflag:s14] =	dma.local @!p0 [hbm:s5], $0x2700  }
0x1f: {  	_ =	swait.ge @!p0 [sflag:s20], $0x2700  }
0x20: {  	[sflag:s20] =	ssyncset.done @!p0 $0x0  }
0x21: {  	[sflag:s20] =	ssyncadd.s32 @!p0 $0xFFFFD900  }
0x22: {  	s30 =	simm.s32 $0x0;
	[bflag:$0x0] =	sbarrier.arrive $0xFFFF  }
0x23: {  	[tilespmem:s17], [sflag:$0x1] =	stream.indirect.gather [hbm4b:s4+s16], $0x80, s30, s16, $0xb8;
	[tilespmem:$0x1C900] =	vst v63  }
0x24: {  	_ =	swait.ge [sflag:s18], $0x4000  }
0x25: {  	[sflag:s18] =	ssyncset.done $0x0  }
0x26: {  	s31 =	simm.s32 $0x2800;
	[sflag:s18] =	ssyncadd.s32 $0xFFFFC000  }
0x27: {  	[spmem:s2] =	stream.indirect.scatter.add.f32 [tilespmem:s17], [sflag:$0x2], $0x80, s31, s16, $0xb8;
	[tilespmem:$0x1C900] =	vst v63  }
0x28: {  	_ =	swait.ge [sflag:s11], $0x4000  }
0x29: {  	s21 =	simm.s32 $0x400;
	s20 =	simm.s32 $0x200;
	[sflag:s11] =	ssyncset.done $0x0  }
.LBB2_2:
0x2a: {  	s22 =	sshra.s32 s20, $0x2  }
0x2b: {  	[sflag:s11] =	ssyncadd.s32 $0xFFFFC000;
	s20 =	smov.u32 s21;
	s23 =	sadd.s32 $0x200, s21  }
0x2c: {  	[tilespmem:s17], [sflag:$0x1] =	stream.indirect.gather [hbm4b:s4+s16], $0x80, s22, s16, $0xb8;
	[tilespmem:$0x1C900] =	vst v63  }
0x2d: {  	p1 =	sne.s32 s21, $0x9C00;
	_ =	swait.ge [sflag:s18], $0x4000  }
.Ltmp0:
0x2e: {  	[sflag:s18] =	ssyncset.done $0x0;
	(pc) =	sbr.rel @p1 .LBB2_2-.Ltmp0, $4  }
0x2f: {  	s21 =	sadd.s32 $0x2800, s22;
	[sflag:s18] =	ssyncadd.s32 $0xFFFFC000  }
0x30: {  	[spmem:s2] =	stream.indirect.scatter.add.f32 [tilespmem:s17], [sflag:$0x2], $0x80, s21, s16, $0xb8;
	[tilespmem:$0x1C900] =	vst v63  }
0x31: {  	_ =	swait.ge [sflag:s11], $0x4000  }
0x32: {  	s21 =	smov.u32 s23;
	[sflag:s11] =	ssyncset.done $0x0  }
0x33: {  	s20 =	sshra.s32 s20, $0x2;
	[sflag:s11] =	ssyncadd.s32 $0xFFFFC000  }
0x34: {  	[tilespmem:s17], [sflag:$0x1] =	stream.indirect.gather [hbm4b:s4+s16], $0x80, s20, s16, $0xb8;
	[tilespmem:$0x1C900] =	vst v63  }
0x35: {  	_ =	swait.ge [sflag:s18], $0x4000  }
0x36: {  	[sflag:s18] =	ssyncset.done $0x0  }
0x37: {  	s20 =	sadd.s32 $0x2800, s20;
	[sflag:s18] =	ssyncadd.s32 $0xFFFFC000  }
0x38: {  	[spmem:s2] =	stream.indirect.scatter.add.f32 [tilespmem:s17], [sflag:$0x2], $0x80, s20, s16, $0xb8;
	[tilespmem:$0x1C900] =	vst v63  }
0x39: {  	_ =	swait.ge [sflag:s11], $0x4000  }
0x3a: {  	[sflag:s11] =	ssyncset.done $0x0  }
0x3b: {  	[sflag:s11] =	ssyncadd.s32 $0xFFFFC000  }
0x3c: {  	s20 =	simm.s32 @p0 $0x1FC2;
	[bflag:$0x0] =	sbarrier.arrive $0xFFFF  }
0x3d: {  	[hbm:s9], [sflag:s20] =	dma.local @p0 [spmem:s13], $0x2900  }
0x3e: {  	s20 =	simm.s32 @p0 $0x2  }
0x3f: {  	s19 =	sadd.s32 $0x1, s19;
	_ =	swait.ge @p0 [sflag:s20], $0x2900  }
0x40: {  	p1 =	sne.s32 s19, s10;
	[sflag:s20] =	ssyncset.done @p0 $0x0  }
.Ltmp1:
0x41: {  	[sflag:s20] =	ssyncadd.s32 @p0 $0xFFFFD700;
	s20 =	simm.s32 @!p0 $0x2;
	(pc) =	sbr.rel @p1 .LBB2_1-.Ltmp1, $4  }
0x42: {  	[hbm:s8], [sflag:s14] =	dma.local @!p0 [spmem:s15], $0x2700  }
0x43: {  	_ =	swait.ge @!p0 [sflag:s20], $0x2700  }
0x44: {  	[sflag:s20] =	ssyncset.done @!p0 $0x0  }
0x45: {  	[sflag:s20] =	ssyncadd.s32 @!p0 $0xFFFFD900  }
0x46: {  	_ =	sfence.sel $0x180000  }
0x47: {  	[bflag:$0x0] =	sbarrier.arrive $0xFFFF  }
0x48: {  	p0 =	sne.s32 s0, $0x0;
	_ =	strace $0x90000050  }
0x49: {  	s0 =	sadd.s32 @!p0 $0x100000, s1;
	[bflag:$0x2] =	sbarrier.arrive $0xFFFF  }
0x4a: {  	[sflag:s0] =	ssyncadd.tile.s32 @!p0 $0x1;
	_ =	shalt  }
.Lfunc_end2:
_tile_overlayer_lowered:
.L_overlay_start_2:
0x4b: {  	(tag) =	ssettag $0x2  }
0x4c: {  	s0 =	rddreg [dreg:$0x0];
	s2 =	stileid.u32  }
0x4d: {  	s1 =	rddreg [dreg:$0x1];
	p0 =	sne.s32 s2, $0x0  }
0x4e: {  	s3 =	rddreg [dreg:$0x2];
	[bflag:$0x3] =	sbarrier.arrive $0xFFFF;
	s2 =	simm.s32 @!p0 $0x1C02  }
0x4f: {  	[timem:s3], [sflag:s2] =	dma.local @!p0 [hbm:s0], s1  }
0x50: {  	s0 =	simm.s32 @!p0 $0x2  }
0x51: {  	_ =	swait.ge @!p0 [sflag:s0], s1  }
0x52: {  	s1 =	ssub.s32 @!p0 $0x0, s1;
	[sflag:s0] =	ssyncset.done @!p0 $0x0  }
0x53: {  	[sflag:s0] =	ssyncadd.s32 @!p0 s1  }
0x54: {  	[bflag:$0x3] =	sbarrier.arrive $0xFFFF  }
0x55: {  	_ =	shalt  }

</sc_bundles>
